<compile_context>
chip_gen: v7x
topology: tpu7x:2x2x1
jax: 0.10.2.dev20260603
libtpu: 0.0.44.dev20260713+nightly
codegen_flags: <defaults>
</compile_context>

<pallas_src>
import functools

import numpy as np
import jax
import jax.numpy as jnp
from jax import lax
from jax.experimental import pallas as pl
from jax.experimental.pallas import tpu as pltpu
from jax.experimental.pallas import tpu_sc as plsc

_N = 10000
_E = 320000
_D = 128
_NB = 8
_RN = 64

_NC = 2
_NS = 16
_L = 16
_NTILES = _NC * _NS
_EPT = _E // _NTILES
_K = 80
_NCHUNK = _EPT // _K
_RPS = 632

_IS128 = float(1.0 / np.sqrt(128.0))
_IS64 = float(1.0 / np.sqrt(64.0))
_IS8 = float(1.0 / np.sqrt(8.0))
_ALPHA = float(0.5 / (np.sqrt(16.0) * np.sqrt(128.0)))

_NODE_BLK = 2000
_EDGE_BLK = 12800


def _node_pre_body(ni, na, wsi, wlin1, x_o, si_o):
    xa = ni[...] * na[...]
    x_o[...] = jnp.dot(xa, wlin1[...], preferred_element_type=jnp.float32) * _IS128
    si_o[...] = jnp.dot(xa, wsi[...], preferred_element_type=jnp.float32) * _IS128


def _edge_pre_body(elbt, eat, w1, w2, wp_o):
    h = lax.dot_general(elbt[...], w1[...], (((0,), (0,)), ((), ())),
                        preferred_element_type=jnp.float32) * _IS8
    h = jnp.maximum(h, 0.0)
    w = jnp.dot(h, w2[...], preferred_element_type=jnp.float32) * _IS64
    ab = lax.dot_general(eat[...], jnp.ones((1, _D), jnp.float32),
                         (((0,), (0,)), ((), ())),
                         preferred_element_type=jnp.float32)
    wp_o[...] = w * ab


def _post_body(p, si, wl2, o):
    agg = p[0] + p[1]
    o[...] = si[...] + _ALPHA * jnp.dot(agg, wl2[...], preferred_element_type=jnp.float32)


def _sc_scatter_body(wp_hbm, x_hbm, sdi_hbm, zeros_hbm, out_hbm,
                     id0, id1, id2, id3, w0, xr0, w1, xr1,
                     agg_sh, is0, is1, gs0, ws0, gs1, ws1, ss0, ss1):
    c = lax.axis_index("c")
    s = lax.axis_index("s")
    wid = c * _NS + s
    base0 = wid * _EPT
    brow = wid * _NCHUNK
    row0 = jnp.minimum(s * _RPS, _N - _RPS)
    pltpu.sync_copy(zeros_hbm.at[pl.ds(row0, _RPS)],
                    agg_sh.at[pl.ds(row0, _RPS)])
    plsc.subcore_barrier()

    def prefetch(ci, idb, isem, guard=False):
        def go():
            pltpu.async_copy(sdi_hbm.at[brow + ci], idb, isem)
        if guard:
            pl.when(ci < _NCHUNK)(go)
        else:
            go()

    def issue(ci, idb, isem, w_v, xr_v, gsem, wsem, ssem, guard=False):
        def go():
            pltpu.make_async_copy(sdi_hbm.at[brow + ci], idb, isem).wait()
            pltpu.async_copy(x_hbm.at[idb.at[0]], xr_v, gsem)
            if ssem is not None:
                pltpu.make_async_copy(w_v, agg_sh.at[idb.at[1]], ssem).wait()
            pltpu.async_copy(wp_hbm.at[pl.ds(base0 + ci * _K, _K)], w_v, wsem)
        if guard:
            pl.when(ci < _NCHUNK)(go)
        else:
            go()

    def process(ci, idb, w_v, xr_v, gsem, wsem, ssem):
        pltpu.make_async_copy(x_hbm.at[idb.at[0]], xr_v, gsem).wait()
        pltpu.make_async_copy(wp_hbm.at[pl.ds(base0 + ci * _K, _K)], w_v,
                              wsem).wait()

        @pl.loop(0, _K)
        def _row(r):
            for j in range(_D // _L):
                sl = pl.ds(j * _L, _L)
                w_v.at[r, sl][...] = w_v.at[r, sl][...] * xr_v.at[r, sl][...]

        pltpu.async_copy(w_v, agg_sh.at[idb.at[1]], ssem, add=True)

    ids = (id0, id1, id2, id3)
    iss = (is0, is1)
    b0 = (w0, xr0, gs0, ws0, ss0)
    b1 = (w1, xr1, gs1, ws1, ss1)
    bufs = (b0, b1)

    prefetch(0, id0, is0)
    prefetch(1, id1, is1)
    issue(0, id0, is0, *b0[:4], None)
    prefetch(2, id2, is0)
    issue(1, id1, is1, *b1[:4], None)
    prefetch(3, id3, is1)
    process(0, id0, *b0)
    issue(2, id2, is0, *b0)
    prefetch(4, id0, is0)

    @pl.loop(0, (_NCHUNK - 1) // 4)
    def _quad(it):
        ci = 1 + it * 4
        for k in range(4):
            cc = ci + k
            process(cc, ids[(1 + k) % 4], *bufs[(1 + k) % 2])
            issue(cc + 2, ids[(3 + k) % 4], iss[(1 + k) % 2],
                  *bufs[(1 + k) % 2], guard=True)
            prefetch(cc + 4, ids[(1 + k) % 4], iss[(1 + k) % 2], guard=True)

    pltpu.make_async_copy(w1, agg_sh.at[id0.at[1]], ss1).wait()
    pltpu.make_async_copy(w0, agg_sh.at[id0.at[1]], ss0).wait()

    plsc.subcore_barrier()
    pltpu.sync_copy(agg_sh.at[pl.ds(row0, _RPS)],
                    out_hbm.at[c, pl.ds(row0, _RPS)])


def kernel(node_input, node_attr, edge_src, edge_dst, edge_attr,
           edge_length_embedded, W_si, W_lin1, W_fc1, W_fc2, W_lin2):
    esrc = edge_src.astype(jnp.int32)
    edst = edge_dst.astype(jnp.int32)
    sdi = jnp.stack([esrc.reshape(_NTILES * _NCHUNK, _K),
                     edst.reshape(_NTILES * _NCHUNK, _K)], axis=1)

    x, si = pl.pallas_call(
        _node_pre_body,
        grid=(_N // _NODE_BLK,),
        in_specs=[
            pl.BlockSpec((_NODE_BLK, _D), lambda i: (i, 0)),
            pl.BlockSpec((_NODE_BLK, 1), lambda i: (i, 0)),
            pl.BlockSpec((_D, _D), lambda i: (0, 0)),
            pl.BlockSpec((_D, _D), lambda i: (0, 0)),
        ],
        out_specs=[
            pl.BlockSpec((_NODE_BLK, _D), lambda i: (i, 0)),
            pl.BlockSpec((_NODE_BLK, _D), lambda i: (i, 0)),
        ],
        out_shape=[
            jax.ShapeDtypeStruct((_N, _D), jnp.float32),
            jax.ShapeDtypeStruct((_N, _D), jnp.float32),
        ],
    )(node_input, node_attr, W_si, W_lin1)

    wp = pl.pallas_call(
        _edge_pre_body,
        grid=(_E // _EDGE_BLK,),
        in_specs=[
            pl.BlockSpec((_NB, _EDGE_BLK), lambda i: (0, i)),
            pl.BlockSpec((1, _EDGE_BLK), lambda i: (0, i)),
            pl.BlockSpec((_NB, _RN), lambda i: (0, 0)),
            pl.BlockSpec((_RN, _D), lambda i: (0, 0)),
        ],
        out_specs=pl.BlockSpec((_EDGE_BLK, _D), lambda i: (i, 0)),
        out_shape=jax.ShapeDtypeStruct((_E, _D), jnp.float32),
    )(edge_length_embedded.T, edge_attr.T, W_fc1, W_fc2)

    zeros = jnp.zeros((_N, _D), jnp.float32)

    mesh = plsc.VectorSubcoreMesh(core_axis_name="c", subcore_axis_name="s")
    sc_scatter = pl.kernel(
        _sc_scatter_body,
        mesh=mesh,
        out_type=jax.ShapeDtypeStruct((_NC, _N, _D), jnp.float32),
        scratch_types=[
            pltpu.VMEM((2, _K), jnp.int32),
            pltpu.VMEM((2, _K), jnp.int32),
            pltpu.VMEM((2, _K), jnp.int32),
            pltpu.VMEM((2, _K), jnp.int32),
            pltpu.VMEM((_K, _D), jnp.float32),
            pltpu.VMEM((_K, _D), jnp.float32),
            pltpu.VMEM((_K, _D), jnp.float32),
            pltpu.VMEM((_K, _D), jnp.float32),
            pltpu.VMEM_SHARED((_N, _D), jnp.float32),
            pltpu.SemaphoreType.DMA,
            pltpu.SemaphoreType.DMA,
            pltpu.SemaphoreType.DMA,
            pltpu.SemaphoreType.DMA,
            pltpu.SemaphoreType.DMA,
            pltpu.SemaphoreType.DMA,
            pltpu.SemaphoreType.DMA,
            pltpu.SemaphoreType.DMA,
        ],
    )
    partial = sc_scatter(wp, x, sdi, zeros)

    out = pl.pallas_call(
        _post_body,
        grid=(_N // _NODE_BLK,),
        in_specs=[
            pl.BlockSpec((_NC, _NODE_BLK, _D), lambda i: (0, i, 0)),
            pl.BlockSpec((_NODE_BLK, _D), lambda i: (i, 0)),
            pl.BlockSpec((_D, _D), lambda i: (0, 0)),
        ],
        out_specs=pl.BlockSpec((_NODE_BLK, _D), lambda i: (i, 0)),
        out_shape=jax.ShapeDtypeStruct((_N, _D), jnp.float32),
    )(partial, si, W_lin2)
    return out

# --- scband reference (transcript-rebuilt; emitter-appended) ---
"""Pipeline reference for scband-convolution-1288490189205 (READ-ONLY COPY).

The authoritative reference and input builder live on the scoring server;
editing this copy changes nothing except your own understanding.
"""

import jax, jax.numpy as jnp
import numpy as np
import math

N_NODES = 10000
N_EDGES = 320000
D_FEAT = 128
N_BASIS = 8
RADIAL_NEURONS = 64
NUM_NEIGHBORS = 16


def setup_inputs(seed: int = 0) -> dict:
    key = jax.random.key(seed)
    ks = jax.random.split(key, 10)
    node_input = jax.random.normal(ks[0], (N_NODES, D_FEAT), dtype=jnp.float32)
    node_attr = jnp.ones((N_NODES, 1), dtype=jnp.float32)
    edge_src = jax.random.randint(ks[1], (N_EDGES,), 0, N_NODES, dtype=jnp.int64 if jax.config.jax_enable_x64 else jnp.int32)
    edge_dst = jax.random.randint(ks[2], (N_EDGES,), 0, N_NODES, dtype=jnp.int64 if jax.config.jax_enable_x64 else jnp.int32)
    edge_attr = jax.random.normal(ks[3], (N_EDGES, 1), dtype=jnp.float32)
    edge_length_embedded = jax.random.uniform(ks[4], (N_EDGES, N_BASIS), dtype=jnp.float32)
    # Learned parameters (e3nn tensor products specialized to all-scalar 0e irreps)
    W_si = jax.random.normal(ks[5], (D_FEAT, D_FEAT), dtype=jnp.float32)
    W_lin1 = jax.random.normal(ks[6], (D_FEAT, D_FEAT), dtype=jnp.float32)
    W_fc1 = jax.random.normal(ks[7], (N_BASIS, RADIAL_NEURONS), dtype=jnp.float32)
    W_fc2 = jax.random.normal(ks[8], (RADIAL_NEURONS, D_FEAT), dtype=jnp.float32)
    W_lin2 = jax.random.normal(ks[9], (D_FEAT, D_FEAT), dtype=jnp.float32)
    return {
        "node_input": node_input,
        "node_attr": node_attr,
        "edge_src": edge_src,
        "edge_dst": edge_dst,
        "edge_attr": edge_attr,
        "edge_length_embedded": edge_length_embedded,
        "W_si": W_si,
        "W_lin1": W_lin1,
        "W_fc1": W_fc1,
        "W_fc2": W_fc2,
        "W_lin2": W_lin2,
    }


def _fctp_scalar(x, attr, W):
    # FullyConnectedTensorProduct(Nx0e, 1x0e, Mx0e): (x * attr) @ W with fan-in normalization
    return (x * attr) @ W / jnp.sqrt(jnp.float32(W.shape[0]))


def _radial_net(e, W1, W2):
    # e3nn FullyConnectedNet with relu and 1/sqrt(fan_in) weight normalization
    h = jax.nn.relu(e @ W1 / jnp.sqrt(jnp.float32(W1.shape[0])))
    return h @ W2 / jnp.sqrt(jnp.float32(W2.shape[0]))


def reference(node_input, node_attr, edge_src, edge_dst, edge_attr, edge_length_embedded, W_si, W_lin1, W_fc1, W_fc2, W_lin2):
    # weight = self.fc(edge_length_embedded)  -> [E, tp.weight_numel=128]
    weight = _radial_net(edge_length_embedded, W_fc1, W_fc2)
    # si = self.si(x, node_attr)
    si = _fctp_scalar(node_input, node_attr, W_si)
    # x = self.lin1(x, node_attr)
    x = _fctp_scalar(node_input, node_attr, W_lin1)
    # edge_features = self.tp(x[edge_src], edge_attr, weight)
    # TensorProduct 'uvu' on 0e x 0e -> per-channel weight * gathered feature * edge scalar
    edge_features = weight * x[edge_src] * edge_attr
    # scatter-add over destination nodes, then normalize
    agg = jax.ops.segment_sum(edge_features, edge_dst, num_segments=N_NODES)
    agg = agg / jnp.sqrt(jnp.float32(NUM_NEIGHBORS))
    # x = self.lin2(x, node_attr)
    out = _fctp_scalar(agg, node_attr, W_lin2)
    return si + 0.5 * out

if __name__ == "__main__":
    import jax
    _d = setup_inputs()
    print(jax.jit(kernel)(*tuple(_d.values())))

</pallas_src>

<mosaic_0001>
#map = affine_map<(d0, d1) -> (0, 0)>
#map1 = affine_map<(d0, d1) -> (0, 0, 0)>
module attributes {stable_mosaic.version = 14 : i64} {
  func.func @_sc_scatter_body(%arg0: i32, %arg1: i32, %arg2: memref<320000x128xf32, #tpu.memory_space<hbm>>, %arg3: memref<10000x128xf32, #tpu.memory_space<hbm>>, %arg4: memref<4000x2x80xi32, #tpu.memory_space<hbm>>, %arg5: memref<10000x128xf32, #tpu.memory_space<hbm>>, %arg6: memref<2x10000x128xf32, #tpu.memory_space<hbm>>, %arg7: memref<2x80xi32, #tpu.memory_space<vmem>>, %arg8: memref<2x80xi32, #tpu.memory_space<vmem>>, %arg9: memref<2x80xi32, #tpu.memory_space<vmem>>, %arg10: memref<2x80xi32, #tpu.memory_space<vmem>>, %arg11: memref<80x128xf32, #tpu.memory_space<vmem>>, %arg12: memref<80x128xf32, #tpu.memory_space<vmem>>, %arg13: memref<80x128xf32, #tpu.memory_space<vmem>>, %arg14: memref<80x128xf32, #tpu.memory_space<vmem>>, %arg15: memref<10000x128xf32, #tpu.memory_space<vmem_shared>>, %arg16: memref<!tpu.dma_semaphore, #tpu.memory_space<semaphore_mem>>, %arg17: memref<!tpu.dma_semaphore, #tpu.memory_space<semaphore_mem>>, %arg18: memref<!tpu.dma_semaphore, #tpu.memory_space<semaphore_mem>>, %arg19: memref<!tpu.dma_semaphore, #tpu.memory_space<semaphore_mem>>, %arg20: memref<!tpu.dma_semaphore, #tpu.memory_space<semaphore_mem>>, %arg21: memref<!tpu.dma_semaphore, #tpu.memory_space<semaphore_mem>>, %arg22: memref<!tpu.dma_semaphore, #tpu.memory_space<semaphore_mem>>, %arg23: memref<!tpu.dma_semaphore, #tpu.memory_space<semaphore_mem>>) attributes {dimension_semantics = [#tpu.dimension_semantics<core_parallel>, #tpu.dimension_semantics<subcore_parallel>], iteration_bounds = array<i64: 2, 16>, scalar_prefetch = 0 : i64, scratch_operands = 17 : i64, tpu.core_type = #tpu.core_type<sc_vector_subcore>, window_params = [{transform_indices = #map}, {transform_indices = #map}, {transform_indices = #map1}, {transform_indices = #map}, {transform_indices = #map1}]} {
    %mul3A = arith.constant 16 : i32
    %mul3A_0 = arith.muli %arg0, %mul3A : i32
    %add3A = arith.addi %mul3A_0, %arg1 : i32
    %mul3A_1 = arith.constant 10000 : i32
    %mul3A_2 = arith.muli %add3A, %mul3A_1 : i32
    %mul3A_3 = arith.constant 125 : i32
    %mul3A_4 = arith.muli %add3A, %mul3A_3 : i32
    %mul3A_5 = arith.constant 632 : i32
    %mul3A_6 = arith.muli %arg1, %mul3A_5 : i32
    %min3A = arith.constant 9368 : i32
    %min3A_7 = arith.minsi %mul3A_6, %min3A : i32
    "tpu.region"() ({
      %run_scoped3A = tpu.sem_alloc : memref<!tpu.dma_semaphore, #tpu.memory_space<semaphore_mem>>
      %dma_start3A_176 = arith.constant 0 : i32
      %dma_start3A_177 = tpu.memref_slice %arg15[%min3A_7, %dma_start3A_176] : memref<10000x128xf32, #tpu.memory_space<vmem_shared>> -> memref<632x128xf32, #tpu.memory_space<vmem_shared>>
      %dma_start3A_178 = arith.constant 0 : i32
      %dma_start3A_179 = tpu.memref_slice %arg5[%min3A_7, %dma_start3A_178] : memref<10000x128xf32, #tpu.memory_space<hbm>> -> memref<632x128xf32, #tpu.memory_space<hbm>>
      tpu.enqueue_dma source(%dma_start3A_179 : memref<632x128xf32, #tpu.memory_space<hbm>>) target(%dma_start3A_177 : memref<632x128xf32, #tpu.memory_space<vmem_shared>>) target_semaphore(%run_scoped3A : memref<!tpu.dma_semaphore, #tpu.memory_space<semaphore_mem>>)
      %dma_wait3A_180 = arith.constant 0 : i32
      %dma_wait3A_181 = tpu.memref_slice %arg15[%min3A_7, %dma_wait3A_180] : memref<10000x128xf32, #tpu.memory_space<vmem_shared>> -> memref<632x128xf32, #tpu.memory_space<vmem_shared>>
      %dma_wait3A_182 = arith.constant 0 : i32
      %dma_wait3A_183 = tpu.memref_slice %arg5[%min3A_7, %dma_wait3A_182] : memref<10000x128xf32, #tpu.memory_space<hbm>> -> memref<632x128xf32, #tpu.memory_space<hbm>>
      tpu.wait_dma2 semaphore(%run_scoped3A : memref<!tpu.dma_semaphore, #tpu.memory_space<semaphore_mem>>) src(%dma_wait3A_183 : memref<632x128xf32, #tpu.memory_space<hbm>>) dst(%dma_wait3A_181 : memref<632x128xf32, #tpu.memory_space<vmem_shared>>)
      tpu.yield
    }) : () -> ()
    %barrier3A = arith.constant 0 : index
    tpu.barrier barrier_id(%barrier3A)
    %add3A_8 = arith.constant 0 : i32
    %add3A_9 = arith.addi %mul3A_4, %add3A_8 : i32
    %dma_start3A = arith.constant 0 : i32
    %dma_start3A_10 = arith.constant 0 : i32
    %dma_start3A_11 = tpu.memref_slice %arg4[%add3A_9, %dma_start3A, %dma_start3A_10] : memref<4000x2x80xi32, #tpu.memory_space<hbm>> -> memref<1x2x80xi32, #tpu.memory_space<hbm>>
    %dma_start3A_12 = tpu.memref_squeeze %dma_start3A_11 : memref<1x2x80xi32, #tpu.memory_space<hbm>> -> memref<2x80xi32, #tpu.memory_space<hbm>>
    %dma_start3A_13 = arith.constant 0 : i32
    %dma_start3A_14 = arith.constant 0 : i32
    %dma_start3A_15 = tpu.memref_slice %arg4[%add3A_9, %dma_start3A_13, %dma_start3A_14] : memref<4000x2x80xi32, #tpu.memory_space<hbm>> -> memref<1x2x80xi32, #tpu.memory_space<hbm>>
    %dma_start3A_16 = tpu.memref_squeeze %dma_start3A_15 : memref<1x2x80xi32, #tpu.memory_space<hbm>> -> memref<2x80xi32, #tpu.memory_space<hbm>>
    tpu.enqueue_dma source(%dma_start3A_16 : memref<2x80xi32, #tpu.memory_space<hbm>>) target(%arg7 : memref<2x80xi32, #tpu.memory_space<vmem>>) target_semaphore(%arg16 : memref<!tpu.dma_semaphore, #tpu.memory_space<semaphore_mem>>)
    %add3A_17 = arith.constant 1 : i32
    %add3A_18 = arith.addi %mul3A_4, %add3A_17 : i32
    %dma_start3A_19 = arith.constant 0 : i32
    %dma_start3A_20 = arith.constant 0 : i32
    %dma_start3A_21 = tpu.memref_slice %arg4[%add3A_18, %dma_start3A_19, %dma_start3A_20] : memref<4000x2x80xi32, #tpu.memory_space<hbm>> -> memref<1x2x80xi32, #tpu.memory_space<hbm>>
    %dma_start3A_22 = tpu.memref_squeeze %dma_start3A_21 : memref<1x2x80xi32, #tpu.memory_space<hbm>> -> memref<2x80xi32, #tpu.memory_space<hbm>>
    %dma_start3A_23 = arith.constant 0 : i32
    %dma_start3A_24 = arith.constant 0 : i32
    %dma_start3A_25 = tpu.memref_slice %arg4[%add3A_18, %dma_start3A_23, %dma_start3A_24] : memref<4000x2x80xi32, #tpu.memory_space<hbm>> -> memref<1x2x80xi32, #tpu.memory_space<hbm>>
    %dma_start3A_26 = tpu.memref_squeeze %dma_start3A_25 : memref<1x2x80xi32, #tpu.memory_space<hbm>> -> memref<2x80xi32, #tpu.memory_space<hbm>>
    tpu.enqueue_dma source(%dma_start3A_26 : memref<2x80xi32, #tpu.memory_space<hbm>>) target(%arg8 : memref<2x80xi32, #tpu.memory_space<vmem>>) target_semaphore(%arg17 : memref<!tpu.dma_semaphore, #tpu.memory_space<semaphore_mem>>)
    %add3A_27 = arith.constant 0 : i32
    %add3A_28 = arith.addi %mul3A_4, %add3A_27 : i32
    %dma_wait3A = arith.constant 0 : i32
    %dma_wait3A_29 = arith.constant 0 : i32
    %dma_wait3A_30 = tpu.memref_slice %arg4[%add3A_28, %dma_wait3A, %dma_wait3A_29] : memref<4000x2x80xi32, #tpu.memory_space<hbm>> -> memref<1x2x80xi32, #tpu.memory_space<hbm>>
    %dma_wait3A_31 = tpu.memref_squeeze %dma_wait3A_30 : memref<1x2x80xi32, #tpu.memory_space<hbm>> -> memref<2x80xi32, #tpu.memory_space<hbm>>
    %dma_wait3A_32 = arith.constant 0 : i32
    %dma_wait3A_33 = arith.constant 0 : i32
    %dma_wait3A_34 = tpu.memref_slice %arg4[%add3A_28, %dma_wait3A_32, %dma_wait3A_33] : memref<4000x2x80xi32, #tpu.memory_space<hbm>> -> memref<1x2x80xi32, #tpu.memory_space<hbm>>
    %dma_wait3A_35 = tpu.memref_squeeze %dma_wait3A_34 : memref<1x2x80xi32, #tpu.memory_space<hbm>> -> memref<2x80xi32, #tpu.memory_space<hbm>>
    tpu.wait_dma2 semaphore(%arg16 : memref<!tpu.dma_semaphore, #tpu.memory_space<semaphore_mem>>) src(%dma_wait3A_35 : memref<2x80xi32, #tpu.memory_space<hbm>>) dst(%arg7 : memref<2x80xi32, #tpu.memory_space<vmem>>)
    %dma_start3A_36 = arith.constant 0 : i32
    %dma_start3A_37 = arith.constant 0 : i32
    %dma_start3A_38 = tpu.memref_slice %arg7[%dma_start3A_36, %dma_start3A_37] : memref<2x80xi32, #tpu.memory_space<vmem>> -> memref<1x80xi32, #tpu.memory_space<vmem>>
    %dma_start3A_39 = tpu.memref_squeeze %dma_start3A_38 : memref<1x80xi32, #tpu.memory_space<vmem>> -> memref<80xi32, #tpu.memory_space<vmem>>
    %dma_start3A_40 = arith.constant 0 : i32
    %dma_start3A_41 = arith.constant 0 : i32
    %dma_start3A_42 = tpu.memref_slice %arg3[%dma_start3A_40, %dma_start3A_41] : memref<10000x128xf32, #tpu.memory_space<hbm>> -> memref<10000x128xf32, #tpu.memory_space<hbm>>
    tpu.enqueue_indirect_dma source(%dma_start3A_42 : memref<10000x128xf32, #tpu.memory_space<hbm>>) target(%arg12 : memref<80x128xf32, #tpu.memory_space<vmem>>) offsets(%dma_start3A_39 : memref<80xi32, #tpu.memory_space<vmem>>) semaphore(%arg18 : memref<!tpu.dma_semaphore, #tpu.memory_space<semaphore_mem>>)
    %add3A_43 = arith.constant 0 : i32
    %add3A_44 = arith.addi %mul3A_2, %add3A_43 : i32
    %dma_start3A_45 = arith.constant 0 : i32
    %dma_start3A_46 = tpu.memref_slice %arg2[%add3A_44, %dma_start3A_45] : memref<320000x128xf32, #tpu.memory_space<hbm>> -> memref<80x128xf32, #tpu.memory_space<hbm>>
    %dma_start3A_47 = arith.constant 0 : i32
    %dma_start3A_48 = tpu.memref_slice %arg2[%add3A_44, %dma_start3A_47] : memref<320000x128xf32, #tpu.memory_space<hbm>> -> memref<80x128xf32, #tpu.memory_space<hbm>>
    tpu.enqueue_dma source(%dma_start3A_48 : memref<80x128xf32, #tpu.memory_space<hbm>>) target(%arg11 : memref<80x128xf32, #tpu.memory_space<vmem>>) target_semaphore(%arg19 : memref<!tpu.dma_semaphore, #tpu.memory_space<semaphore_mem>>)
    %add3A_49 = arith.constant 2 : i32
    %add3A_50 = arith.addi %mul3A_4, %add3A_49 : i32
    %dma_start3A_51 = arith.constant 0 : i32
    %dma_start3A_52 = arith.constant 0 : i32
    %dma_start3A_53 = tpu.memref_slice %arg4[%add3A_50, %dma_start3A_51, %dma_start3A_52] : memref<4000x2x80xi32, #tpu.memory_space<hbm>> -> memref<1x2x80xi32, #tpu.memory_space<hbm>>
    %dma_start3A_54 = tpu.memref_squeeze %dma_start3A_53 : memref<1x2x80xi32, #tpu.memory_space<hbm>> -> memref<2x80xi32, #tpu.memory_space<hbm>>
    %dma_start3A_55 = arith.constant 0 : i32
    %dma_start3A_56 = arith.constant 0 : i32
    %dma_start3A_57 = tpu.memref_slice %arg4[%add3A_50, %dma_start3A_55, %dma_start3A_56] : memref<4000x2x80xi32, #tpu.memory_space<hbm>> -> memref<1x2x80xi32, #tpu.memory_space<hbm>>
    %dma_start3A_58 = tpu.memref_squeeze %dma_start3A_57 : memref<1x2x80xi32, #tpu.memory_space<hbm>> -> memref<2x80xi32, #tpu.memory_space<hbm>>
    tpu.enqueue_dma source(%dma_start3A_58 : memref<2x80xi32, #tpu.memory_space<hbm>>) target(%arg9 : memref<2x80xi32, #tpu.memory_space<vmem>>) target_semaphore(%arg16 : memref<!tpu.dma_semaphore, #tpu.memory_space<semaphore_mem>>)
    %add3A_59 = arith.constant 1 : i32
    %add3A_60 = arith.addi %mul3A_4, %add3A_59 : i32
    %dma_wait3A_61 = arith.constant 0 : i32
    %dma_wait3A_62 = arith.constant 0 : i32
    %dma_wait3A_63 = tpu.memref_slice %arg4[%add3A_60, %dma_wait3A_61, %dma_wait3A_62] : memref<4000x2x80xi32, #tpu.memory_space<hbm>> -> memref<1x2x80xi32, #tpu.memory_space<hbm>>
    %dma_wait3A_64 = tpu.memref_squeeze %dma_wait3A_63 : memref<1x2x80xi32, #tpu.memory_space<hbm>> -> memref<2x80xi32, #tpu.memory_space<hbm>>
    %dma_wait3A_65 = arith.constant 0 : i32
    %dma_wait3A_66 = arith.constant 0 : i32
    %dma_wait3A_67 = tpu.memref_slice %arg4[%add3A_60, %dma_wait3A_65, %dma_wait3A_66] : memref<4000x2x80xi32, #tpu.memory_space<hbm>> -> memref<1x2x80xi32, #tpu.memory_space<hbm>>
    %dma_wait3A_68 = tpu.memref_squeeze %dma_wait3A_67 : memref<1x2x80xi32, #tpu.memory_space<hbm>> -> memref<2x80xi32, #tpu.memory_space<hbm>>
    tpu.wait_dma2 semaphore(%arg17 : memref<!tpu.dma_semaphore, #tpu.memory_space<semaphore_mem>>) src(%dma_wait3A_68 : memref<2x80xi32, #tpu.memory_space<hbm>>) dst(%arg8 : memref<2x80xi32, #tpu.memory_space<vmem>>)
    %dma_start3A_69 = arith.constant 0 : i32
    %dma_start3A_70 = arith.constant 0 : i32
    %dma_start3A_71 = tpu.memref_slice %arg8[%dma_start3A_69, %dma_start3A_70] : memref<2x80xi32, #tpu.memory_space<vmem>> -> memref<1x80xi32, #tpu.memory_space<vmem>>
    %dma_start3A_72 = tpu.memref_squeeze %dma_start3A_71 : memref<1x80xi32, #tpu.memory_space<vmem>> -> memref<80xi32, #tpu.memory_space<vmem>>
    %dma_start3A_73 = arith.constant 0 : i32
    %dma_start3A_74 = arith.constant 0 : i32
    %dma_start3A_75 = tpu.memref_slice %arg3[%dma_start3A_73, %dma_start3A_74] : memref<10000x128xf32, #tpu.memory_space<hbm>> -> memref<10000x128xf32, #tpu.memory_space<hbm>>
    tpu.enqueue_indirect_dma source(%dma_start3A_75 : memref<10000x128xf32, #tpu.memory_space<hbm>>) target(%arg14 : memref<80x128xf32, #tpu.memory_space<vmem>>) offsets(%dma_start3A_72 : memref<80xi32, #tpu.memory_space<vmem>>) semaphore(%arg20 : memref<!tpu.dma_semaphore, #tpu.memory_space<semaphore_mem>>)
    %add3A_76 = arith.constant 80 : i32
    %add3A_77 = arith.addi %mul3A_2, %add3A_76 : i32
    %dma_start3A_78 = arith.constant 0 : i32
    %dma_start3A_79 = tpu.memref_slice %arg2[%add3A_77, %dma_start3A_78] : memref<320000x128xf32, #tpu.memory_space<hbm>> -> memref<80x128xf32, #tpu.memory_space<hbm>>
    %dma_start3A_80 = arith.constant 0 : i32
    %dma_start3A_81 = tpu.memref_slice %arg2[%add3A_77, %dma_start3A_80] : memref<320000x128xf32, #tpu.memory_space<hbm>> -> memref<80x128xf32, #tpu.memory_space<hbm>>
    tpu.enqueue_dma source(%dma_start3A_81 : memref<80x128xf32, #tpu.memory_space<hbm>>) target(%arg13 : memref<80x128xf32, #tpu.memory_space<vmem>>) target_semaphore(%arg21 : memref<!tpu.dma_semaphore, #tpu.memory_space<semaphore_mem>>)
    %add3A_82 = arith.constant 3 : i32
    %add3A_83 = arith.addi %mul3A_4, %add3A_82 : i32
    %dma_start3A_84 = arith.constant 0 : i32
    %dma_start3A_85 = arith.constant 0 : i32
    %dma_start3A_86 = tpu.memref_slice %arg4[%add3A_83, %dma_start3A_84, %dma_start3A_85] : memref<4000x2x80xi32, #tpu.memory_space<hbm>> -> memref<1x2x80xi32, #tpu.memory_space<hbm>>
    %dma_start3A_87 = tpu.memref_squeeze %dma_start3A_86 : memref<1x2x80xi32, #tpu.memory_space<hbm>> -> memref<2x80xi32, #tpu.memory_space<hbm>>
    %dma_start3A_88 = arith.constant 0 : i32
    %dma_start3A_89 = arith.constant 0 : i32
    %dma_start3A_90 = tpu.memref_slice %arg4[%add3A_83, %dma_start3A_88, %dma_start3A_89] : memref<4000x2x80xi32, #tpu.memory_space<hbm>> -> memref<1x2x80xi32, #tpu.memory_space<hbm>>
    %dma_start3A_91 = tpu.memref_squeeze %dma_start3A_90 : memref<1x2x80xi32, #tpu.memory_space<hbm>> -> memref<2x80xi32, #tpu.memory_space<hbm>>
    tpu.enqueue_dma source(%dma_start3A_91 : memref<2x80xi32, #tpu.memory_space<hbm>>) target(%arg10 : memref<2x80xi32, #tpu.memory_space<vmem>>) target_semaphore(%arg17 : memref<!tpu.dma_semaphore, #tpu.memory_space<semaphore_mem>>)
    %dma_wait3A_92 = arith.constant 0 : i32
    %dma_wait3A_93 = arith.constant 0 : i32
    %dma_wait3A_94 = tpu.memref_slice %arg7[%dma_wait3A_92, %dma_wait3A_93] : memref<2x80xi32, #tpu.memory_space<vmem>> -> memref<1x80xi32, #tpu.memory_space<vmem>>
    %dma_wait3A_95 = tpu.memref_squeeze %dma_wait3A_94 : memref<1x80xi32, #tpu.memory_space<vmem>> -> memref<80xi32, #tpu.memory_space<vmem>>
    %dma_wait3A_96 = arith.constant 0 : i32
    %dma_wait3A_97 = arith.constant 0 : i32
    %dma_wait3A_98 = tpu.memref_slice %arg3[%dma_wait3A_96, %dma_wait3A_97] : memref<10000x128xf32, #tpu.memory_space<hbm>> -> memref<10000x128xf32, #tpu.memory_space<hbm>>
    tpu.wait_indirect_dma semaphore(%arg18 : memref<!tpu.dma_semaphore, #tpu.memory_space<semaphore_mem>>) src(%dma_wait3A_98 : memref<10000x128xf32, #tpu.memory_space<hbm>>) dst(%arg12 : memref<80x128xf32, #tpu.memory_space<vmem>>)
    %add3A_99 = arith.constant 0 : i32
    %add3A_100 = arith.addi %mul3A_2, %add3A_99 : i32
    %dma_wait3A_101 = arith.constant 0 : i32
    %dma_wait3A_102 = tpu.memref_slice %arg2[%add3A_100, %dma_wait3A_101] : memref<320000x128xf32, #tpu.memory_space<hbm>> -> memref<80x128xf32, #tpu.memory_space<hbm>>
    %dma_wait3A_103 = arith.constant 0 : i32
    %dma_wait3A_104 = tpu.memref_slice %arg2[%add3A_100, %dma_wait3A_103] : memref<320000x128xf32, #tpu.memory_space<hbm>> -> memref<80x128xf32, #tpu.memory_space<hbm>>
    tpu.wait_dma2 semaphore(%arg19 : memref<!tpu.dma_semaphore, #tpu.memory_space<semaphore_mem>>) src(%dma_wait3A_104 : memref<80x128xf32, #tpu.memory_space<hbm>>) dst(%arg11 : memref<80x128xf32, #tpu.memory_space<vmem>>)
    %scan3A = arith.constant 0 : i32
    %scan3A_105 = arith.constant 80 : i32
    %scan3A_106 = arith.addi %scan3A, %scan3A_105 : i32
    %scan3A_107 = arith.constant 1 : i32
    scf.for %scan3A_176 = %scan3A to %scan3A_106 step %scan3A_107  : i32 {
      %mul3A_177 = arith.constant 1 : i32
      %mul3A_178 = arith.muli %scan3A_176, %mul3A_177 : i32
      %add3A_179 = arith.constant 0 : i32
      %add3A_180 = arith.addi %add3A_179, %mul3A_178 : i32
      %get3A = arith.index_cast %add3A_180 : i32 to index
      %get3A_181 = arith.constant 0 : index
      %get3A_182 = tpu.vector_load %arg11[%get3A, %get3A_181] {strides = array<i32>} : memref<80x128xf32, #tpu.memory_space<vmem>>, vector<1x16xf32>,
      %get3A_183 = vector.shape_cast %get3A_182 : vector<1x16xf32> to vector<16xf32>
      %get3A_184 = arith.index_cast %add3A_180 : i32 to index
      %get3A_185 = arith.constant 0 : index
      %get3A_186 = tpu.vector_load %arg12[%get3A_184, %get3A_185] {strides = array<i32>} : memref<80x128xf32, #tpu.memory_space<vmem>>, vector<1x16xf32>,
      %get3A_187 = vector.shape_cast %get3A_186 : vector<1x16xf32> to vector<16xf32>
      %mul3A_188 = arith.mulf %get3A_183, %get3A_187 : vector<16xf32>
      %swap3A = arith.index_cast %add3A_180 : i32 to index
      %swap3A_189 = arith.constant 0 : index
      %swap3A_190 = tpu.vector_load %arg11[%swap3A, %swap3A_189] {strides = array<i32>} : memref<80x128xf32, #tpu.memory_space<vmem>>, vector<1x16xf32>,
      %swap3A_191 = vector.shape_cast %swap3A_190 : vector<1x16xf32> to vector<16xf32>
      %swap3A_192 = vector.shape_cast %mul3A_188 : vector<16xf32> to vector<1x16xf32>
      tpu.vector_store %arg11[%swap3A, %swap3A_189], %swap3A_192 {strides = array<i32>} : memref<80x128xf32, #tpu.memory_space<vmem>>, vector<1x16xf32>,
      %get3A_193 = arith.index_cast %add3A_180 : i32 to index
      %get3A_194 = arith.constant 16 : index
      %get3A_195 = tpu.vector_load %arg11[%get3A_193, %get3A_194] {strides = array<i32>} : memref<80x128xf32, #tpu.memory_space<vmem>>, vector<1x16xf32>,
      %get3A_196 = vector.shape_cast %get3A_195 : vector<1x16xf32> to vector<16xf32>
      %get3A_197 = arith.index_cast %add3A_180 : i32 to index
      %get3A_198 = arith.constant 16 : index
      %get3A_199 = tpu.vector_load %arg12[%get3A_197, %get3A_198] {strides = array<i32>} : memref<80x128xf32, #tpu.memory_space<vmem>>, vector<1x16xf32>,
      %get3A_200 = vector.shape_cast %get3A_199 : vector<1x16xf32> to vector<16xf32>
      %mul3A_201 = arith.mulf %get3A_196, %get3A_200 : vector<16xf32>
      %swap3A_202 = arith.index_cast %add3A_180 : i32 to index
      %swap3A_203 = arith.constant 16 : index
      %swap3A_204 = tpu.vector_load %arg11[%swap3A_202, %swap3A_203] {strides = array<i32>} : memref<80x128xf32, #tpu.memory_space<vmem>>, vector<1x16xf32>,
      %swap3A_205 = vector.shape_cast %swap3A_204 : vector<1x16xf32> to vector<16xf32>
      %swap3A_206 = vector.shape_cast %mul3A_201 : vector<16xf32> to vector<1x16xf32>
      tpu.vector_store %arg11[%swap3A_202, %swap3A_203], %swap3A_206 {strides = array<i32>} : memref<80x128xf32, #tpu.memory_space<vmem>>, vector<1x16xf32>,
      %get3A_207 = arith.index_cast %add3A_180 : i32 to index
      %get3A_208 = arith.constant 32 : index
      %get3A_209 = tpu.vector_load %arg11[%get3A_207, %get3A_208] {strides = array<i32>} : memref<80x128xf32, #tpu.memory_space<vmem>>, vector<1x16xf32>,
      %get3A_210 = vector.shape_cast %get3A_209 : vector<1x16xf32> to vector<16xf32>
      %get3A_211 = arith.index_cast %add3A_180 : i32 to index
      %get3A_212 = arith.constant 32 : index
      %get3A_213 = tpu.vector_load %arg12[%get3A_211, %get3A_212] {strides = array<i32>} : memref<80x128xf32, #tpu.memory_space<vmem>>, vector<1x16xf32>,
      %get3A_214 = vector.shape_cast %get3A_213 : vector<1x16xf32> to vector<16xf32>
      %mul3A_215 = arith.mulf %get3A_210, %get3A_214 : vector<16xf32>
      %swap3A_216 = arith.index_cast %add3A_180 : i32 to index
      %swap3A_217 = arith.constant 32 : index
      %swap3A_218 = tpu.vector_load %arg11[%swap3A_216, %swap3A_217] {strides = array<i32>} : memref<80x128xf32, #tpu.memory_space<vmem>>, vector<1x16xf32>,
      %swap3A_219 = vector.shape_cast %swap3A_218 : vector<1x16xf32> to vector<16xf32>
      %swap3A_220 = vector.shape_cast %mul3A_215 : vector<16xf32> to vector<1x16xf32>
      tpu.vector_store %arg11[%swap3A_216, %swap3A_217], %swap3A_220 {strides = array<i32>} : memref<80x128xf32, #tpu.memory_space<vmem>>, vector<1x16xf32>,
      %get3A_221 = arith.index_cast %add3A_180 : i32 to index
      %get3A_222 = arith.constant 48 : index
      %get3A_223 = tpu.vector_load %arg11[%get3A_221, %get3A_222] {strides = array<i32>} : memref<80x128xf32, #tpu.memory_space<vmem>>, vector<1x16xf32>,
      %get3A_224 = vector.shape_cast %get3A_223 : vector<1x16xf32> to vector<16xf32>
      %get3A_225 = arith.index_cast %add3A_180 : i32 to index
      %get3A_226 = arith.constant 48 : index
      %get3A_227 = tpu.vector_load %arg12[%get3A_225, %get3A_226] {strides = array<i32>} : memref<80x128xf32, #tpu.memory_space<vmem>>, vector<1x16xf32>,
      %get3A_228 = vector.shape_cast %get3A_227 : vector<1x16xf32> to vector<16xf32>
      %mul3A_229 = arith.mulf %get3A_224, %get3A_228 : vector<16xf32>
      %swap3A_230 = arith.index_cast %add3A_180 : i32 to index
      %swap3A_231 = arith.constant 48 : index
      %swap3A_232 = tpu.vector_load %arg11[%swap3A_230, %swap3A_231] {strides = array<i32>} : memref<80x128xf32, #tpu.memory_space<vmem>>, vector<1x16xf32>,
      %swap3A_233 = vector.shape_cast %swap3A_232 : vector<1x16xf32> to vector<16xf32>
      %swap3A_234 = vector.shape_cast %mul3A_229 : vector<16xf32> to vector<1x16xf32>
      tpu.vector_store %arg11[%swap3A_230, %swap3A_231], %swap3A_234 {strides = array<i32>} : memref<80x128xf32, #tpu.memory_space<vmem>>, vector<1x16xf32>,
      %get3A_235 = arith.index_cast %add3A_180 : i32 to index
      %get3A_236 = arith.constant 64 : index
      %get3A_237 = tpu.vector_load %arg11[%get3A_235, %get3A_236] {strides = array<i32>} : memref<80x128xf32, #tpu.memory_space<vmem>>, vector<1x16xf32>,
      %get3A_238 = vector.shape_cast %get3A_237 : vector<1x16xf32> to vector<16xf32>
      %get3A_239 = arith.index_cast %add3A_180 : i32 to index
      %get3A_240 = arith.constant 64 : index
      %get3A_241 = tpu.vector_load %arg12[%get3A_239, %get3A_240] {strides = array<i32>} : memref<80x128xf32, #tpu.memory_space<vmem>>, vector<1x16xf32>,
      %get3A_242 = vector.shape_cast %get3A_241 : vector<1x16xf32> to vector<16xf32>
      %mul3A_243 = arith.mulf %get3A_238, %get3A_242 : vector<16xf32>
      %swap3A_244 = arith.index_cast %add3A_180 : i32 to index
      %swap3A_245 = arith.constant 64 : index
      %swap3A_246 = tpu.vector_load %arg11[%swap3A_244, %swap3A_245] {strides = array<i32>} : memref<80x128xf32, #tpu.memory_space<vmem>>, vector<1x16xf32>,
      %swap3A_247 = vector.shape_cast %swap3A_246 : vector<1x16xf32> to vector<16xf32>
      %swap3A_248 = vector.shape_cast %mul3A_243 : vector<16xf32> to vector<1x16xf32>
      tpu.vector_store %arg11[%swap3A_244, %swap3A_245], %swap3A_248 {strides = array<i32>} : memref<80x128xf32, #tpu.memory_space<vmem>>, vector<1x16xf32>,
      %get3A_249 = arith.index_cast %add3A_180 : i32 to index
      %get3A_250 = arith.constant 80 : index
      %get3A_251 = tpu.vector_load %arg11[%get3A_249, %get3A_250] {strides = array<i32>} : memref<80x128xf32, #tpu.memory_space<vmem>>, vector<1x16xf32>,
      %get3A_252 = vector.shape_cast %get3A_251 : vector<1x16xf32> to vector<16xf32>
      %get3A_253 = arith.index_cast %add3A_180 : i32 to index
      %get3A_254 = arith.constant 80 : index
      %get3A_255 = tpu.vector_load %arg12[%get3A_253, %get3A_254] {strides = array<i32>} : memref<80x128xf32, #tpu.memory_space<vmem>>, vector<1x16xf32>,
      %get3A_256 = vector.shape_cast %get3A_255 : vector<1x16xf32> to vector<16xf32>
      %mul3A_257 = arith.mulf %get3A_252, %get3A_256 : vector<16xf32>
      %swap3A_258 = arith.index_cast %add3A_180 : i32 to index
      %swap3A_259 = arith.constant 80 : index
      %swap3A_260 = tpu.vector_load %arg11[%swap3A_258, %swap3A_259] {strides = array<i32>} : memref<80x128xf32, #tpu.memory_space<vmem>>, vector<1x16xf32>,
      %swap3A_261 = vector.shape_cast %swap3A_260 : vector<1x16xf32> to vector<16xf32>
      %swap3A_262 = vector.shape_cast %mul3A_257 : vector<16xf32> to vector<1x16xf32>
      tpu.vector_store %arg11[%swap3A_258, %swap3A_259], %swap3A_262 {strides = array<i32>} : memref<80x128xf32, #tpu.memory_space<vmem>>, vector<1x16xf32>,
      %get3A_263 = arith.index_cast %add3A_180 : i32 to index
      %get3A_264 = arith.constant 96 : index
      %get3A_265 = tpu.vector_load %arg11[%get3A_263, %get3A_264] {strides = array<i32>} : memref<80x128xf32, #tpu.memory_space<vmem>>, vector<1x16xf32>,
      %get3A_266 = vector.shape_cast %get3A_265 : vector<1x16xf32> to vector<16xf32>
      %get3A_267 = arith.index_cast %add3A_180 : i32 to index
      %get3A_268 = arith.constant 96 : index
      %get3A_269 = tpu.vector_load %arg12[%get3A_267, %get3A_268] {strides = array<i32>} : memref<80x128xf32, #tpu.memory_space<vmem>>, vector<1x16xf32>,
      %get3A_270 = vector.shape_cast %get3A_269 : vector<1x16xf32> to vector<16xf32>
      %mul3A_271 = arith.mulf %get3A_266, %get3A_270 : vector<16xf32>
      %swap3A_272 = arith.index_cast %add3A_180 : i32 to index
      %swap3A_273 = arith.constant 96 : index
      %swap3A_274 = tpu.vector_load %arg11[%swap3A_272, %swap3A_273] {strides = array<i32>} : memref<80x128xf32, #tpu.memory_space<vmem>>, vector<1x16xf32>,
      %swap3A_275 = vector.shape_cast %swap3A_274 : vector<1x16xf32> to vector<16xf32>
      %swap3A_276 = vector.shape_cast %mul3A_271 : vector<16xf32> to vector<1x16xf32>
      tpu.vector_store %arg11[%swap3A_272, %swap3A_273], %swap3A_276 {strides = array<i32>} : memref<80x128xf32, #tpu.memory_space<vmem>>, vector<1x16xf32>,
      %get3A_277 = arith.index_cast %add3A_180 : i32 to index
      %get3A_278 = arith.constant 112 : index
      %get3A_279 = tpu.vector_load %arg11[%get3A_277, %get3A_278] {strides = array<i32>} : memref<80x128xf32, #tpu.memory_space<vmem>>, vector<1x16xf32>,
      %get3A_280 = vector.shape_cast %get3A_279 : vector<1x16xf32> to vector<16xf32>
      %get3A_281 = arith.index_cast %add3A_180 : i32 to index
      %get3A_282 = arith.constant 112 : index
      %get3A_283 = tpu.vector_load %arg12[%get3A_281, %get3A_282] {strides = array<i32>} : memref<80x128xf32, #tpu.memory_space<vmem>>, vector<1x16xf32>,
      %get3A_284 = vector.shape_cast %get3A_283 : vector<1x16xf32> to vector<16xf32>
      %mul3A_285 = arith.mulf %get3A_280, %get3A_284 : vector<16xf32>
      %swap3A_286 = arith.index_cast %add3A_180 : i32 to index
      %swap3A_287 = arith.constant 112 : index
      %swap3A_288 = tpu.vector_load %arg11[%swap3A_286, %swap3A_287] {strides = array<i32>} : memref<80x128xf32, #tpu.memory_space<vmem>>, vector<1x16xf32>,
      %swap3A_289 = vector.shape_cast %swap3A_288 : vector<1x16xf32> to vector<16xf32>
      %swap3A_290 = vector.shape_cast %mul3A_285 : vector<16xf32> to vector<1x16xf32>
      tpu.vector_store %arg11[%swap3A_286, %swap3A_287], %swap3A_290 {strides = array<i32>} : memref<80x128xf32, #tpu.memory_space<vmem>>, vector<1x16xf32>,
    }
    %scan3A_108 = arith.constant 80 : i32
    %dma_start3A_109 = arith.constant 1 : i32
    %dma_start3A_110 = arith.constant 0 : i32
    %dma_start3A_111 = tpu.memref_slice %arg7[%dma_start3A_109, %dma_start3A_110] : memref<2x80xi32, #tpu.memory_space<vmem>> -> memref<1x80xi32, #tpu.memory_space<vmem>>
    %dma_start3A_112 = tpu.memref_squeeze %dma_start3A_111 : memref<1x80xi32, #tpu.memory_space<vmem>> -> memref<80xi32, #tpu.memory_space<vmem>>
    %dma_start3A_113 = arith.constant 0 : i32
    %dma_start3A_114 = arith.constant 0 : i32
    %dma_start3A_115 = tpu.memref_slice %arg15[%dma_start3A_113, %dma_start3A_114] : memref<10000x128xf32, #tpu.memory_space<vmem_shared>> -> memref<10000x128xf32, #tpu.memory_space<vmem_shared>>
    tpu.enqueue_indirect_dma source(%arg11 : memref<80x128xf32, #tpu.memory_space<vmem>>) target(%dma_start3A_115 : memref<10000x128xf32, #tpu.memory_space<vmem_shared>>) offsets(%dma_start3A_112 : memref<80xi32, #tpu.memory_space<vmem>>) semaphore(%arg22 : memref<!tpu.dma_semaphore, #tpu.memory_space<semaphore_mem>>) {add = true}
    %add3A_116 = arith.constant 2 : i32
    %add3A_117 = arith.addi %mul3A_4, %add3A_116 : i32
    %dma_wait3A_118 = arith.constant 0 : i32
    %dma_wait3A_119 = arith.constant 0 : i32
    %dma_wait3A_120 = tpu.memref_slice %arg4[%add3A_117, %dma_wait3A_118, %dma_wait3A_119] : memref<4000x2x80xi32, #tpu.memory_space<hbm>> -> memref<1x2x80xi32, #tpu.memory_space<hbm>>
    %dma_wait3A_121 = tpu.memref_squeeze %dma_wait3A_120 : memref<1x2x80xi32, #tpu.memory_space<hbm>> -> memref<2x80xi32, #tpu.memory_space<hbm>>
    %dma_wait3A_122 = arith.constant 0 : i32
    %dma_wait3A_123 = arith.constant 0 : i32
    %dma_wait3A_124 = tpu.memref_slice %arg4[%add3A_117, %dma_wait3A_122, %dma_wait3A_123] : memref<4000x2x80xi32, #tpu.memory_space<hbm>> -> memref<1x2x80xi32, #tpu.memory_space<hbm>>
    %dma_wait3A_125 = tpu.memref_squeeze %dma_wait3A_124 : memref<1x2x80xi32, #tpu.memory_space<hbm>> -> memref<2x80xi32, #tpu.memory_space<hbm>>
    tpu.wait_dma2 semaphore(%arg16 : memref<!tpu.dma_semaphore, #tpu.memory_space<semaphore_mem>>) src(%dma_wait3A_125 : memref<2x80xi32, #tpu.memory_space<hbm>>) dst(%arg9 : memref<2x80xi32, #tpu.memory_space<vmem>>)
    %dma_start3A_126 = arith.constant 0 : i32
    %dma_start3A_127 = arith.constant 0 : i32
    %dma_start3A_128 = tpu.memref_slice %arg9[%dma_start3A_126, %dma_start3A_127] : memref<2x80xi32, #tpu.memory_space<vmem>> -> memref<1x80xi32, #tpu.memory_space<vmem>>
    %dma_start3A_129 = tpu.memref_squeeze %dma_start3A_128 : memref<1x80xi32, #tpu.memory_space<vmem>> -> memref<80xi32, #tpu.memory_space<vmem>>
    %dma_start3A_130 = arith.constant 0 : i32
    %dma_start3A_131 = arith.constant 0 : i32
    %dma_start3A_132 = tpu.memref_slice %arg3[%dma_start3A_130, %dma_start3A_131] : memref<10000x128xf32, #tpu.memory_space<hbm>> -> memref<10000x128xf32, #tpu.memory_space<hbm>>
    tpu.enqueue_indirect_dma source(%dma_start3A_132 : memref<10000x128xf32, #tpu.memory_space<hbm>>) target(%arg12 : memref<80x128xf32, #tpu.memory_space<vmem>>) offsets(%dma_start3A_129 : memref<80xi32, #tpu.memory_space<vmem>>) semaphore(%arg18 : memref<!tpu.dma_semaphore, #tpu.memory_space<semaphore_mem>>)
    %dma_wait3A_133 = arith.constant 1 : i32
    %dma_wait3A_134 = arith.constant 0 : i32
    %dma_wait3A_135 = tpu.memref_slice %arg9[%dma_wait3A_133, %dma_wait3A_134] : memref<2x80xi32, #tpu.memory_space<vmem>> -> memref<1x80xi32, #tpu.memory_space<vmem>>
    %dma_wait3A_136 = tpu.memref_squeeze %dma_wait3A_135 : memref<1x80xi32, #tpu.memory_space<vmem>> -> memref<80xi32, #tpu.memory_space<vmem>>
    %dma_wait3A_137 = arith.constant 0 : i32
    %dma_wait3A_138 = arith.constant 0 : i32
    %dma_wait3A_139 = tpu.memref_slice %arg15[%dma_wait3A_137, %dma_wait3A_138] : memref<10000x128xf32, #tpu.memory_space<vmem_shared>> -> memref<10000x128xf32, #tpu.memory_space<vmem_shared>>
    tpu.wait_indirect_dma semaphore(%arg22 : memref<!tpu.dma_semaphore, #tpu.memory_space<semaphore_mem>>) src(%arg11 : memref<80x128xf32, #tpu.memory_space<vmem>>) dst(%dma_wait3A_139 : memref<10000x128xf32, #tpu.memory_space<vmem_shared>>)
    %add3A_140 = arith.constant 160 : i32
    %add3A_141 = arith.addi %mul3A_2, %add3A_140 : i32
    %dma_start3A_142 = arith.constant 0 : i32
    %dma_start3A_143 = tpu.memref_slice %arg2[%add3A_141, %dma_start3A_142] : memref<320000x128xf32, #tpu.memory_space<hbm>> -> memref<80x128xf32, #tpu.memory_space<hbm>>
    %dma_start3A_144 = arith.constant 0 : i32
    %dma_start3A_145 = tpu.memref_slice %arg2[%add3A_141, %dma_start3A_144] : memref<320000x128xf32, #tpu.memory_space<hbm>> -> memref<80x128xf32, #tpu.memory_space<hbm>>
    tpu.enqueue_dma source(%dma_start3A_145 : memref<80x128xf32, #tpu.memory_space<hbm>>) target(%arg11 : memref<80x128xf32, #tpu.memory_space<vmem>>) target_semaphore(%arg19 : memref<!tpu.dma_semaphore, #tpu.memory_space<semaphore_mem>>)
    %add3A_146 = arith.constant 4 : i32
    %add3A_147 = arith.addi %mul3A_4, %add3A_146 : i32
    %dma_start3A_148 = arith.constant 0 : i32
    %dma_start3A_149 = arith.constant 0 : i32
    %dma_start3A_150 = tpu.memref_slice %arg4[%add3A_147, %dma_start3A_148, %dma_start3A_149] : memref<4000x2x80xi32, #tpu.memory_space<hbm>> -> memref<1x2x80xi32, #tpu.memory_space<hbm>>
    %dma_start3A_151 = tpu.memref_squeeze %dma_start3A_150 : memref<1x2x80xi32, #tpu.memory_space<hbm>> -> memref<2x80xi32, #tpu.memory_space<hbm>>
    %dma_start3A_152 = arith.constant 0 : i32
    %dma_start3A_153 = arith.constant 0 : i32
    %dma_start3A_154 = tpu.memref_slice %arg4[%add3A_147, %dma_start3A_152, %dma_start3A_153] : memref<4000x2x80xi32, #tpu.memory_space<hbm>> -> memref<1x2x80xi32, #tpu.memory_space<hbm>>
    %dma_start3A_155 = tpu.memref_squeeze %dma_start3A_154 : memref<1x2x80xi32, #tpu.memory_space<hbm>> -> memref<2x80xi32, #tpu.memory_space<hbm>>
    tpu.enqueue_dma source(%dma_start3A_155 : memref<2x80xi32, #tpu.memory_space<hbm>>) target(%arg7 : memref<2x80xi32, #tpu.memory_space<vmem>>) target_semaphore(%arg16 : memref<!tpu.dma_semaphore, #tpu.memory_space<semaphore_mem>>)
    %scan3A_156 = arith.constant 0 : i32
    %scan3A_157 = arith.constant 31 : i32
    %scan3A_158 = arith.addi %scan3A_156, %scan3A_157 : i32
    %scan3A_159 = arith.constant 1 : i32
    scf.for %scan3A_176 = %scan3A_156 to %scan3A_158 step %scan3A_159  : i32 {
      %mul3A_177 = arith.constant 1 : i32
      %mul3A_178 = arith.muli %scan3A_176, %mul3A_177 : i32
      %add3A_179 = arith.constant 0 : i32
      %add3A_180 = arith.addi %add3A_179, %mul3A_178 : i32
      %mul3A_181 = arith.constant 4 : i32
      %mul3A_182 = arith.muli %add3A_180, %mul3A_181 : i32
      %add3A_183 = arith.constant 1 : i32
      %add3A_184 = arith.addi %add3A_183, %mul3A_182 : i32
      %add3A_185 = arith.constant 0 : i32
      %add3A_186 = arith.addi %add3A_184, %add3A_185 : i32
      %dma_wait3A_187 = arith.constant 0 : i32
      %dma_wait3A_188 = arith.constant 0 : i32
      %dma_wait3A_189 = tpu.memref_slice %arg8[%dma_wait3A_187, %dma_wait3A_188] : memref<2x80xi32, #tpu.memory_space<vmem>> -> memref<1x80xi32, #tpu.memory_space<vmem>>
      %dma_wait3A_190 = tpu.memref_squeeze %dma_wait3A_189 : memref<1x80xi32, #tpu.memory_space<vmem>> -> memref<80xi32, #tpu.memory_space<vmem>>
      %dma_wait3A_191 = arith.constant 0 : i32
      %dma_wait3A_192 = arith.constant 0 : i32
      %dma_wait3A_193 = tpu.memref_slice %arg3[%dma_wait3A_191, %dma_wait3A_192] : memref<10000x128xf32, #tpu.memory_space<hbm>> -> memref<10000x128xf32, #tpu.memory_space<hbm>>
      tpu.wait_indirect_dma semaphore(%arg20 : memref<!tpu.dma_semaphore, #tpu.memory_space<semaphore_mem>>) src(%dma_wait3A_193 : memref<10000x128xf32, #tpu.memory_space<hbm>>) dst(%arg14 : memref<80x128xf32, #tpu.memory_space<vmem>>)
      %mul3A_194 = arith.constant 80 : i32
      %mul3A_195 = arith.muli %add3A_186, %mul3A_194 : i32
      %add3A_196 = arith.addi %mul3A_2, %mul3A_195 : i32
      %dma_wait3A_197 = arith.constant 0 : i32
      %dma_wait3A_198 = tpu.memref_slice %arg2[%add3A_196, %dma_wait3A_197] : memref<320000x128xf32, #tpu.memory_space<hbm>> -> memref<80x128xf32, #tpu.memory_space<hbm>>
      %dma_wait3A_199 = arith.constant 0 : i32
      %dma_wait3A_200 = tpu.memref_slice %arg2[%add3A_196, %dma_wait3A_199] : memref<320000x128xf32, #tpu.memory_space<hbm>> -> memref<80x128xf32, #tpu.memory_space<hbm>>
      tpu.wait_dma2 semaphore(%arg21 : memref<!tpu.dma_semaphore, #tpu.memory_space<semaphore_mem>>) src(%dma_wait3A_200 : memref<80x128xf32, #tpu.memory_space<hbm>>) dst(%arg13 : memref<80x128xf32, #tpu.memory_space<vmem>>)
      %scan3A_201 = arith.constant 0 : i32
      %scan3A_202 = arith.constant 80 : i32
      %scan3A_203 = arith.addi %scan3A_201, %scan3A_202 : i32
      %scan3A_204 = arith.constant 1 : i32
      scf.for %scan3A_350 = %scan3A_201 to %scan3A_203 step %scan3A_204  : i32 {
        %mul3A_351 = arith.constant 1 : i32
        %mul3A_352 = arith.muli %scan3A_350, %mul3A_351 : i32
        %add3A_353 = arith.constant 0 : i32
        %add3A_354 = arith.addi %add3A_353, %mul3A_352 : i32
        %get3A = arith.index_cast %add3A_354 : i32 to index
        %get3A_355 = arith.constant 0 : index
        %get3A_356 = tpu.vector_load %arg13[%get3A, %get3A_355] {strides = array<i32>} : memref<80x128xf32, #tpu.memory_space<vmem>>, vector<1x16xf32>,
        %get3A_357 = vector.shape_cast %get3A_356 : vector<1x16xf32> to vector<16xf32>
        %get3A_358 = arith.index_cast %add3A_354 : i32 to index
        %get3A_359 = arith.constant 0 : index
        %get3A_360 = tpu.vector_load %arg14[%get3A_358, %get3A_359] {strides = array<i32>} : memref<80x128xf32, #tpu.memory_space<vmem>>, vector<1x16xf32>,
        %get3A_361 = vector.shape_cast %get3A_360 : vector<1x16xf32> to vector<16xf32>
        %mul3A_362 = arith.mulf %get3A_357, %get3A_361 : vector<16xf32>
        %swap3A = arith.index_cast %add3A_354 : i32 to index
        %swap3A_363 = arith.constant 0 : index
        %swap3A_364 = tpu.vector_load %arg13[%swap3A, %swap3A_363] {strides = array<i32>} : memref<80x128xf32, #tpu.memory_space<vmem>>, vector<1x16xf32>,
        %swap3A_365 = vector.shape_cast %swap3A_364 : vector<1x16xf32> to vector<16xf32>
        %swap3A_366 = vector.shape_cast %mul3A_362 : vector<16xf32> to vector<1x16xf32>
        tpu.vector_store %arg13[%swap3A, %swap3A_363], %swap3A_366 {strides = array<i32>} : memref<80x128xf32, #tpu.memory_space<vmem>>, vector<1x16xf32>,
        %get3A_367 = arith.index_cast %add3A_354 : i32 to index
        %get3A_368 = arith.constant 16 : index
        %get3A_369 = tpu.vector_load %arg13[%get3A_367, %get3A_368] {strides = array<i32>} : memref<80x128xf32, #tpu.memory_space<vmem>>, vector<1x16xf32>,
        %get3A_370 = vector.shape_cast %get3A_369 : vector<1x16xf32> to vector<16xf32>
        %get3A_371 = arith.index_cast %add3A_354 : i32 to index
        %get3A_372 = arith.constant 16 : index
        %get3A_373 = tpu.vector_load %arg14[%get3A_371, %get3A_372] {strides = array<i32>} : memref<80x128xf32, #tpu.memory_space<vmem>>, vector<1x16xf32>,
        %get3A_374 = vector.shape_cast %get3A_373 : vector<1x16xf32> to vector<16xf32>
        %mul3A_375 = arith.mulf %get3A_370, %get3A_374 : vector<16xf32>
        %swap3A_376 = arith.index_cast %add3A_354 : i32 to index
        %swap3A_377 = arith.constant 16 : index
        %swap3A_378 = tpu.vector_load %arg13[%swap3A_376, %swap3A_377] {strides = array<i32>} : memref<80x128xf32, #tpu.memory_space<vmem>>, vector<1x16xf32>,
        %swap3A_379 = vector.shape_cast %swap3A_378 : vector<1x16xf32> to vector<16xf32>
        %swap3A_380 = vector.shape_cast %mul3A_375 : vector<16xf32> to vector<1x16xf32>
        tpu.vector_store %arg13[%swap3A_376, %swap3A_377], %swap3A_380 {strides = array<i32>} : memref<80x128xf32, #tpu.memory_space<vmem>>, vector<1x16xf32>,
        %get3A_381 = arith.index_cast %add3A_354 : i32 to index
        %get3A_382 = arith.constant 32 : index
        %get3A_383 = tpu.vector_load %arg13[%get3A_381, %get3A_382] {strides = array<i32>} : memref<80x128xf32, #tpu.memory_space<vmem>>, vector<1x16xf32>,
        %get3A_384 = vector.shape_cast %get3A_383 : vector<1x16xf32> to vector<16xf32>
        %get3A_385 = arith.index_cast %add3A_354 : i32 to index
        %get3A_386 = arith.constant 32 : index
        %get3A_387 = tpu.vector_load %arg14[%get3A_385, %get3A_386] {strides = array<i32>} : memref<80x128xf32, #tpu.memory_space<vmem>>, vector<1x16xf32>,
        %get3A_388 = vector.shape_cast %get3A_387 : vector<1x16xf32> to vector<16xf32>
        %mul3A_389 = arith.mulf %get3A_384, %get3A_388 : vector<16xf32>
        %swap3A_390 = arith.index_cast %add3A_354 : i32 to index
        %swap3A_391 = arith.constant 32 : index
        %swap3A_392 = tpu.vector_load %arg13[%swap3A_390, %swap3A_391] {strides = array<i32>} : memref<80x128xf32, #tpu.memory_space<vmem>>, vector<1x16xf32>,
        %swap3A_393 = vector.shape_cast %swap3A_392 : vector<1x16xf32> to vector<16xf32>
        %swap3A_394 = vector.shape_cast %mul3A_389 : vector<16xf32> to vector<1x16xf32>
        tpu.vector_store %arg13[%swap3A_390, %swap3A_391], %swap3A_394 {strides = array<i32>} : memref<80x128xf32, #tpu.memory_space<vmem>>, vector<1x16xf32>,
        %get3A_395 = arith.index_cast %add3A_354 : i32 to index
        %get3A_396 = arith.constant 48 : index
        %get3A_397 = tpu.vector_load %arg13[%get3A_395, %get3A_396] {strides = array<i32>} : memref<80x128xf32, #tpu.memory_space<vmem>>, vector<1x16xf32>,
        %get3A_398 = vector.shape_cast %get3A_397 : vector<1x16xf32> to vector<16xf32>
        %get3A_399 = arith.index_cast %add3A_354 : i32 to index
        %get3A_400 = arith.constant 48 : index
        %get3A_401 = tpu.vector_load %arg14[%get3A_399, %get3A_400] {strides = array<i32>} : memref<80x128xf32, #tpu.memory_space<vmem>>, vector<1x16xf32>,
        %get3A_402 = vector.shape_cast %get3A_401 : vector<1x16xf32> to vector<16xf32>
        %mul3A_403 = arith.mulf %get3A_398, %get3A_402 : vector<16xf32>
        %swap3A_404 = arith.index_cast %add3A_354 : i32 to index
        %swap3A_405 = arith.constant 48 : index
        %swap3A_406 = tpu.vector_load %arg13[%swap3A_404, %swap3A_405] {strides = array<i32>} : memref<80x128xf32, #tpu.memory_space<vmem>>, vector<1x16xf32>,
        %swap3A_407 = vector.shape_cast %swap3A_406 : vector<1x16xf32> to vector<16xf32>
        %swap3A_408 = vector.shape_cast %mul3A_403 : vector<16xf32> to vector<1x16xf32>
        tpu.vector_store %arg13[%swap3A_404, %swap3A_405], %swap3A_408 {strides = array<i32>} : memref<80x128xf32, #tpu.memory_space<vmem>>, vector<1x16xf32>,
        %get3A_409 = arith.index_cast %add3A_354 : i32 to index
        %get3A_410 = arith.constant 64 : index
        %get3A_411 = tpu.vector_load %arg13[%get3A_409, %get3A_410] {strides = array<i32>} : memref<80x128xf32, #tpu.memory_space<vmem>>, vector<1x16xf32>,
        %get3A_412 = vector.shape_cast %get3A_411 : vector<1x16xf32> to vector<16xf32>
        %get3A_413 = arith.index_cast %add3A_354 : i32 to index
        %get3A_414 = arith.constant 64 : index
        %get3A_415 = tpu.vector_load %arg14[%get3A_413, %get3A_414] {strides = array<i32>} : memref<80x128xf32, #tpu.memory_space<vmem>>, vector<1x16xf32>,
        %get3A_416 = vector.shape_cast %get3A_415 : vector<1x16xf32> to vector<16xf32>
        %mul3A_417 = arith.mulf %get3A_412, %get3A_416 : vector<16xf32>
        %swap3A_418 = arith.index_cast %add3A_354 : i32 to index
        %swap3A_419 = arith.constant 64 : index
        %swap3A_420 = tpu.vector_load %arg13[%swap3A_418, %swap3A_419] {strides = array<i32>} : memref<80x128xf32, #tpu.memory_space<vmem>>, vector<1x16xf32>,
        %swap3A_421 = vector.shape_cast %swap3A_420 : vector<1x16xf32> to vector<16xf32>
        %swap3A_422 = vector.shape_cast %mul3A_417 : vector<16xf32> to vector<1x16xf32>
        tpu.vector_store %arg13[%swap3A_418, %swap3A_419], %swap3A_422 {strides = array<i32>} : memref<80x128xf32, #tpu.memory_space<vmem>>, vector<1x16xf32>,
        %get3A_423 = arith.index_cast %add3A_354 : i32 to index
        %get3A_424 = arith.constant 80 : index
        %get3A_425 = tpu.vector_load %arg13[%get3A_423, %get3A_424] {strides = array<i32>} : memref<80x128xf32, #tpu.memory_space<vmem>>, vector<1x16xf32>,
        %get3A_426 = vector.shape_cast %get3A_425 : vector<1x16xf32> to vector<16xf32>
        %get3A_427 = arith.index_cast %add3A_354 : i32 to index
        %get3A_428 = arith.constant 80 : index
        %get3A_429 = tpu.vector_load %arg14[%get3A_427, %get3A_428] {strides = array<i32>} : memref<80x128xf32, #tpu.memory_space<vmem>>, vector<1x16xf32>,
        %get3A_430 = vector.shape_cast %get3A_429 : vector<1x16xf32> to vector<16xf32>
        %mul3A_431 = arith.mulf %get3A_426, %get3A_430 : vector<16xf32>
        %swap3A_432 = arith.index_cast %add3A_354 : i32 to index
        %swap3A_433 = arith.constant 80 : index
        %swap3A_434 = tpu.vector_load %arg13[%swap3A_432, %swap3A_433] {strides = array<i32>} : memref<80x128xf32, #tpu.memory_space<vmem>>, vector<1x16xf32>,
        %swap3A_435 = vector.shape_cast %swap3A_434 : vector<1x16xf32> to vector<16xf32>
        %swap3A_436 = vector.shape_cast %mul3A_431 : vector<16xf32> to vector<1x16xf32>
        tpu.vector_store %arg13[%swap3A_432, %swap3A_433], %swap3A_436 {strides = array<i32>} : memref<80x128xf32, #tpu.memory_space<vmem>>, vector<1x16xf32>,
        %get3A_437 = arith.index_cast %add3A_354 : i32 to index
        %get3A_438 = arith.constant 96 : index
        %get3A_439 = tpu.vector_load %arg13[%get3A_437, %get3A_438] {strides = array<i32>} : memref<80x128xf32, #tpu.memory_space<vmem>>, vector<1x16xf32>,
        %get3A_440 = vector.shape_cast %get3A_439 : vector<1x16xf32> to vector<16xf32>
        %get3A_441 = arith.index_cast %add3A_354 : i32 to index
        %get3A_442 = arith.constant 96 : index
        %get3A_443 = tpu.vector_load %arg14[%get3A_441, %get3A_442] {strides = array<i32>} : memref<80x128xf32, #tpu.memory_space<vmem>>, vector<1x16xf32>,
        %get3A_444 = vector.shape_cast %get3A_443 : vector<1x16xf32> to vector<16xf32>
        %mul3A_445 = arith.mulf %get3A_440, %get3A_444 : vector<16xf32>
        %swap3A_446 = arith.index_cast %add3A_354 : i32 to index
        %swap3A_447 = arith.constant 96 : index
        %swap3A_448 = tpu.vector_load %arg13[%swap3A_446, %swap3A_447] {strides = array<i32>} : memref<80x128xf32, #tpu.memory_space<vmem>>, vector<1x16xf32>,
        %swap3A_449 = vector.shape_cast %swap3A_448 : vector<1x16xf32> to vector<16xf32>
        %swap3A_450 = vector.shape_cast %mul3A_445 : vector<16xf32> to vector<1x16xf32>
        tpu.vector_store %arg13[%swap3A_446, %swap3A_447], %swap3A_450 {strides = array<i32>} : memref<80x128xf32, #tpu.memory_space<vmem>>, vector<1x16xf32>,
        %get3A_451 = arith.index_cast %add3A_354 : i32 to index
        %get3A_452 = arith.constant 112 : index
        %get3A_453 = tpu.vector_load %arg13[%get3A_451, %get3A_452] {strides = array<i32>} : memref<80x128xf32, #tpu.memory_space<vmem>>, vector<1x16xf32>,
        %get3A_454 = vector.shape_cast %get3A_453 : vector<1x16xf32> to vector<16xf32>
        %get3A_455 = arith.index_cast %add3A_354 : i32 to index
        %get3A_456 = arith.constant 112 : index
        %get3A_457 = tpu.vector_load %arg14[%get3A_455, %get3A_456] {strides = array<i32>} : memref<80x128xf32, #tpu.memory_space<vmem>>, vector<1x16xf32>,
        %get3A_458 = vector.shape_cast %get3A_457 : vector<1x16xf32> to vector<16xf32>
        %mul3A_459 = arith.mulf %get3A_454, %get3A_458 : vector<16xf32>
        %swap3A_460 = arith.index_cast %add3A_354 : i32 to index
        %swap3A_461 = arith.constant 112 : index
        %swap3A_462 = tpu.vector_load %arg13[%swap3A_460, %swap3A_461] {strides = array<i32>} : memref<80x128xf32, #tpu.memory_space<vmem>>, vector<1x16xf32>,
        %swap3A_463 = vector.shape_cast %swap3A_462 : vector<1x16xf32> to vector<16xf32>
        %swap3A_464 = vector.shape_cast %mul3A_459 : vector<16xf32> to vector<1x16xf32>
        tpu.vector_store %arg13[%swap3A_460, %swap3A_461], %swap3A_464 {strides = array<i32>} : memref<80x128xf32, #tpu.memory_space<vmem>>, vector<1x16xf32>,
      }
      %scan3A_205 = arith.constant 80 : i32
      %dma_start3A_206 = arith.constant 1 : i32
      %dma_start3A_207 = arith.constant 0 : i32
      %dma_start3A_208 = tpu.memref_slice %arg8[%dma_start3A_206, %dma_start3A_207] : memref<2x80xi32, #tpu.memory_space<vmem>> -> memref<1x80xi32, #tpu.memory_space<vmem>>
      %dma_start3A_209 = tpu.memref_squeeze %dma_start3A_208 : memref<1x80xi32, #tpu.memory_space<vmem>> -> memref<80xi32, #tpu.memory_space<vmem>>
      %dma_start3A_210 = arith.constant 0 : i32
      %dma_start3A_211 = arith.constant 0 : i32
      %dma_start3A_212 = tpu.memref_slice %arg15[%dma_start3A_210, %dma_start3A_211] : memref<10000x128xf32, #tpu.memory_space<vmem_shared>> -> memref<10000x128xf32, #tpu.memory_space<vmem_shared>>
      tpu.enqueue_indirect_dma source(%arg13 : memref<80x128xf32, #tpu.memory_space<vmem>>) target(%dma_start3A_212 : memref<10000x128xf32, #tpu.memory_space<vmem_shared>>) offsets(%dma_start3A_209 : memref<80xi32, #tpu.memory_space<vmem>>) semaphore(%arg23 : memref<!tpu.dma_semaphore, #tpu.memory_space<semaphore_mem>>) {add = true}
      %add3A_213 = arith.constant 2 : i32
      %add3A_214 = arith.addi %add3A_186, %add3A_213 : i32
      %lt3A = arith.constant 125 : i32
      %lt3A_215 = arith.cmpi slt, %add3A_214, %lt3A : i32
      %convert_element_type3A = arith.extui %lt3A_215 : i1 to i32
      %cond3A = arith.constant 0 : i32
      %cond3A_216 = arith.cmpi ne, %convert_element_type3A, %cond3A : i32
      scf.if %cond3A_216 {
        %add3A_350 = arith.addi %mul3A_4, %add3A_214 : i32
        %dma_wait3A_351 = arith.constant 0 : i32
        %dma_wait3A_352 = arith.constant 0 : i32
        %dma_wait3A_353 = tpu.memref_slice %arg4[%add3A_350, %dma_wait3A_351, %dma_wait3A_352] : memref<4000x2x80xi32, #tpu.memory_space<hbm>> -> memref<1x2x80xi32, #tpu.memory_space<hbm>>
        %dma_wait3A_354 = tpu.memref_squeeze %dma_wait3A_353 : memref<1x2x80xi32, #tpu.memory_space<hbm>> -> memref<2x80xi32, #tpu.memory_space<hbm>>
        %dma_wait3A_355 = arith.constant 0 : i32
        %dma_wait3A_356 = arith.constant 0 : i32
        %dma_wait3A_357 = tpu.memref_slice %arg4[%add3A_350, %dma_wait3A_355, %dma_wait3A_356] : memref<4000x2x80xi32, #tpu.memory_space<hbm>> -> memref<1x2x80xi32, #tpu.memory_space<hbm>>
        %dma_wait3A_358 = tpu.memref_squeeze %dma_wait3A_357 : memref<1x2x80xi32, #tpu.memory_space<hbm>> -> memref<2x80xi32, #tpu.memory_space<hbm>>
        tpu.wait_dma2 semaphore(%arg17 : memref<!tpu.dma_semaphore, #tpu.memory_space<semaphore_mem>>) src(%dma_wait3A_358 : memref<2x80xi32, #tpu.memory_space<hbm>>) dst(%arg10 : memref<2x80xi32, #tpu.memory_space<vmem>>)
        %dma_start3A_359 = arith.constant 0 : i32
        %dma_start3A_360 = arith.constant 0 : i32
        %dma_start3A_361 = tpu.memref_slice %arg10[%dma_start3A_359, %dma_start3A_360] : memref<2x80xi32, #tpu.memory_space<vmem>> -> memref<1x80xi32, #tpu.memory_space<vmem>>
        %dma_start3A_362 = tpu.memref_squeeze %dma_start3A_361 : memref<1x80xi32, #tpu.memory_space<vmem>> -> memref<80xi32, #tpu.memory_space<vmem>>
        %dma_start3A_363 = arith.constant 0 : i32
        %dma_start3A_364 = arith.constant 0 : i32
        %dma_start3A_365 = tpu.memref_slice %arg3[%dma_start3A_363, %dma_start3A_364] : memref<10000x128xf32, #tpu.memory_space<hbm>> -> memref<10000x128xf32, #tpu.memory_space<hbm>>
        tpu.enqueue_indirect_dma source(%dma_start3A_365 : memref<10000x128xf32, #tpu.memory_space<hbm>>) target(%arg14 : memref<80x128xf32, #tpu.memory_space<vmem>>) offsets(%dma_start3A_362 : memref<80xi32, #tpu.memory_space<vmem>>) semaphore(%arg20 : memref<!tpu.dma_semaphore, #tpu.memory_space<semaphore_mem>>)
        %dma_wait3A_366 = arith.constant 1 : i32
        %dma_wait3A_367 = arith.constant 0 : i32
        %dma_wait3A_368 = tpu.memref_slice %arg10[%dma_wait3A_366, %dma_wait3A_367] : memref<2x80xi32, #tpu.memory_space<vmem>> -> memref<1x80xi32, #tpu.memory_space<vmem>>
        %dma_wait3A_369 = tpu.memref_squeeze %dma_wait3A_368 : memref<1x80xi32, #tpu.memory_space<vmem>> -> memref<80xi32, #tpu.memory_space<vmem>>
        %dma_wait3A_370 = arith.constant 0 : i32
        %dma_wait3A_371 = arith.constant 0 : i32
        %dma_wait3A_372 = tpu.memref_slice %arg15[%dma_wait3A_370, %dma_wait3A_371] : memref<10000x128xf32, #tpu.memory_space<vmem_shared>> -> memref<10000x128xf32, #tpu.memory_space<vmem_shared>>
        tpu.wait_indirect_dma semaphore(%arg23 : memref<!tpu.dma_semaphore, #tpu.memory_space<semaphore_mem>>) src(%arg13 : memref<80x128xf32, #tpu.memory_space<vmem>>) dst(%dma_wait3A_372 : memref<10000x128xf32, #tpu.memory_space<vmem_shared>>)
        %mul3A_373 = arith.constant 80 : i32
        %mul3A_374 = arith.muli %add3A_214, %mul3A_373 : i32
        %add3A_375 = arith.addi %mul3A_2, %mul3A_374 : i32
        %dma_start3A_376 = arith.constant 0 : i32
        %dma_start3A_377 = tpu.memref_slice %arg2[%add3A_375, %dma_start3A_376] : memref<320000x128xf32, #tpu.memory_space<hbm>> -> memref<80x128xf32, #tpu.memory_space<hbm>>
        %dma_start3A_378 = arith.constant 0 : i32
        %dma_start3A_379 = tpu.memref_slice %arg2[%add3A_375, %dma_start3A_378] : memref<320000x128xf32, #tpu.memory_space<hbm>> -> memref<80x128xf32, #tpu.memory_space<hbm>>
        tpu.enqueue_dma source(%dma_start3A_379 : memref<80x128xf32, #tpu.memory_space<hbm>>) target(%arg13 : memref<80x128xf32, #tpu.memory_space<vmem>>) target_semaphore(%arg21 : memref<!tpu.dma_semaphore, #tpu.memory_space<semaphore_mem>>)
      } else {
      }
      %add3A_217 = arith.constant 4 : i32
      %add3A_218 = arith.addi %add3A_186, %add3A_217 : i32
      %lt3A_219 = arith.constant 125 : i32
      %lt3A_220 = arith.cmpi slt, %add3A_218, %lt3A_219 : i32
      %convert_element_type3A_221 = arith.extui %lt3A_220 : i1 to i32
      %cond3A_222 = arith.constant 0 : i32
      %cond3A_223 = arith.cmpi ne, %convert_element_type3A_221, %cond3A_222 : i32
      scf.if %cond3A_223 {
        %add3A_350 = arith.addi %mul3A_4, %add3A_218 : i32
        %dma_start3A_351 = arith.constant 0 : i32
        %dma_start3A_352 = arith.constant 0 : i32
        %dma_start3A_353 = tpu.memref_slice %arg4[%add3A_350, %dma_start3A_351, %dma_start3A_352] : memref<4000x2x80xi32, #tpu.memory_space<hbm>> -> memref<1x2x80xi32, #tpu.memory_space<hbm>>
        %dma_start3A_354 = tpu.memref_squeeze %dma_start3A_353 : memref<1x2x80xi32, #tpu.memory_space<hbm>> -> memref<2x80xi32, #tpu.memory_space<hbm>>
        %dma_start3A_355 = arith.constant 0 : i32
        %dma_start3A_356 = arith.constant 0 : i32
        %dma_start3A_357 = tpu.memref_slice %arg4[%add3A_350, %dma_start3A_355, %dma_start3A_356] : memref<4000x2x80xi32, #tpu.memory_space<hbm>> -> memref<1x2x80xi32, #tpu.memory_space<hbm>>
        %dma_start3A_358 = tpu.memref_squeeze %dma_start3A_357 : memref<1x2x80xi32, #tpu.memory_space<hbm>> -> memref<2x80xi32, #tpu.memory_space<hbm>>
        tpu.enqueue_dma source(%dma_start3A_358 : memref<2x80xi32, #tpu.memory_space<hbm>>) target(%arg8 : memref<2x80xi32, #tpu.memory_space<vmem>>) target_semaphore(%arg17 : memref<!tpu.dma_semaphore, #tpu.memory_space<semaphore_mem>>)
      } else {
      }
      %add3A_224 = arith.constant 1 : i32
      %add3A_225 = arith.addi %add3A_184, %add3A_224 : i32
      %dma_wait3A_226 = arith.constant 0 : i32
      %dma_wait3A_227 = arith.constant 0 : i32
      %dma_wait3A_228 = tpu.memref_slice %arg9[%dma_wait3A_226, %dma_wait3A_227] : memref<2x80xi32, #tpu.memory_space<vmem>> -> memref<1x80xi32, #tpu.memory_space<vmem>>
      %dma_wait3A_229 = tpu.memref_squeeze %dma_wait3A_228 : memref<1x80xi32, #tpu.memory_space<vmem>> -> memref<80xi32, #tpu.memory_space<vmem>>
      %dma_wait3A_230 = arith.constant 0 : i32
      %dma_wait3A_231 = arith.constant 0 : i32
      %dma_wait3A_232 = tpu.memref_slice %arg3[%dma_wait3A_230, %dma_wait3A_231] : memref<10000x128xf32, #tpu.memory_space<hbm>> -> memref<10000x128xf32, #tpu.memory_space<hbm>>
      tpu.wait_indirect_dma semaphore(%arg18 : memref<!tpu.dma_semaphore, #tpu.memory_space<semaphore_mem>>) src(%dma_wait3A_232 : memref<10000x128xf32, #tpu.memory_space<hbm>>) dst(%arg12 : memref<80x128xf32, #tpu.memory_space<vmem>>)
      %mul3A_233 = arith.constant 80 : i32
      %mul3A_234 = arith.muli %add3A_225, %mul3A_233 : i32
      %add3A_235 = arith.addi %mul3A_2, %mul3A_234 : i32
      %dma_wait3A_236 = arith.constant 0 : i32
      %dma_wait3A_237 = tpu.memref_slice %arg2[%add3A_235, %dma_wait3A_236] : memref<320000x128xf32, #tpu.memory_space<hbm>> -> memref<80x128xf32, #tpu.memory_space<hbm>>
      %dma_wait3A_238 = arith.constant 0 : i32
      %dma_wait3A_239 = tpu.memref_slice %arg2[%add3A_235, %dma_wait3A_238] : memref<320000x128xf32, #tpu.memory_space<hbm>> -> memref<80x128xf32, #tpu.memory_space<hbm>>
      tpu.wait_dma2 semaphore(%arg19 : memref<!tpu.dma_semaphore, #tpu.memory_space<semaphore_mem>>) src(%dma_wait3A_239 : memref<80x128xf32, #tpu.memory_space<hbm>>) dst(%arg11 : memref<80x128xf32, #tpu.memory_space<vmem>>)
      %scan3A_240 = arith.constant 0 : i32
      %scan3A_241 = arith.constant 80 : i32
      %scan3A_242 = arith.addi %scan3A_240, %scan3A_241 : i32
      %scan3A_243 = arith.constant 1 : i32
      scf.for %scan3A_350 = %scan3A_240 to %scan3A_242 step %scan3A_243  : i32 {
        %mul3A_351 = arith.constant 1 : i32
        %mul3A_352 = arith.muli %scan3A_350, %mul3A_351 : i32
        %add3A_353 = arith.constant 0 : i32
        %add3A_354 = arith.addi %add3A_353, %mul3A_352 : i32
        %get3A = arith.index_cast %add3A_354 : i32 to index
        %get3A_355 = arith.constant 0 : index
        %get3A_356 = tpu.vector_load %arg11[%get3A, %get3A_355] {strides = array<i32>} : memref<80x128xf32, #tpu.memory_space<vmem>>, vector<1x16xf32>,
        %get3A_357 = vector.shape_cast %get3A_356 : vector<1x16xf32> to vector<16xf32>
        %get3A_358 = arith.index_cast %add3A_354 : i32 to index
        %get3A_359 = arith.constant 0 : index
        %get3A_360 = tpu.vector_load %arg12[%get3A_358, %get3A_359] {strides = array<i32>} : memref<80x128xf32, #tpu.memory_space<vmem>>, vector<1x16xf32>,
        %get3A_361 = vector.shape_cast %get3A_360 : vector<1x16xf32> to vector<16xf32>
        %mul3A_362 = arith.mulf %get3A_357, %get3A_361 : vector<16xf32>
        %swap3A = arith.index_cast %add3A_354 : i32 to index
        %swap3A_363 = arith.constant 0 : index
        %swap3A_364 = tpu.vector_load %arg11[%swap3A, %swap3A_363] {strides = array<i32>} : memref<80x128xf32, #tpu.memory_space<vmem>>, vector<1x16xf32>,
        %swap3A_365 = vector.shape_cast %swap3A_364 : vector<1x16xf32> to vector<16xf32>
        %swap3A_366 = vector.shape_cast %mul3A_362 : vector<16xf32> to vector<1x16xf32>
        tpu.vector_store %arg11[%swap3A, %swap3A_363], %swap3A_366 {strides = array<i32>} : memref<80x128xf32, #tpu.memory_space<vmem>>, vector<1x16xf32>,
        %get3A_367 = arith.index_cast %add3A_354 : i32 to index
        %get3A_368 = arith.constant 16 : index
        %get3A_369 = tpu.vector_load %arg11[%get3A_367, %get3A_368] {strides = array<i32>} : memref<80x128xf32, #tpu.memory_space<vmem>>, vector<1x16xf32>,
        %get3A_370 = vector.shape_cast %get3A_369 : vector<1x16xf32> to vector<16xf32>
        %get3A_371 = arith.index_cast %add3A_354 : i32 to index
        %get3A_372 = arith.constant 16 : index
        %get3A_373 = tpu.vector_load %arg12[%get3A_371, %get3A_372] {strides = array<i32>} : memref<80x128xf32, #tpu.memory_space<vmem>>, vector<1x16xf32>,
        %get3A_374 = vector.shape_cast %get3A_373 : vector<1x16xf32> to vector<16xf32>
        %mul3A_375 = arith.mulf %get3A_370, %get3A_374 : vector<16xf32>
        %swap3A_376 = arith.index_cast %add3A_354 : i32 to index
        %swap3A_377 = arith.constant 16 : index
        %swap3A_378 = tpu.vector_load %arg11[%swap3A_376, %swap3A_377] {strides = array<i32>} : memref<80x128xf32, #tpu.memory_space<vmem>>, vector<1x16xf32>,
        %swap3A_379 = vector.shape_cast %swap3A_378 : vector<1x16xf32> to vector<16xf32>
        %swap3A_380 = vector.shape_cast %mul3A_375 : vector<16xf32> to vector<1x16xf32>
        tpu.vector_store %arg11[%swap3A_376, %swap3A_377], %swap3A_380 {strides = array<i32>} : memref<80x128xf32, #tpu.memory_space<vmem>>, vector<1x16xf32>,
        %get3A_381 = arith.index_cast %add3A_354 : i32 to index
        %get3A_382 = arith.constant 32 : index
        %get3A_383 = tpu.vector_load %arg11[%get3A_381, %get3A_382] {strides = array<i32>} : memref<80x128xf32, #tpu.memory_space<vmem>>, vector<1x16xf32>,
        %get3A_384 = vector.shape_cast %get3A_383 : vector<1x16xf32> to vector<16xf32>
        %get3A_385 = arith.index_cast %add3A_354 : i32 to index
        %get3A_386 = arith.constant 32 : index
        %get3A_387 = tpu.vector_load %arg12[%get3A_385, %get3A_386] {strides = array<i32>} : memref<80x128xf32, #tpu.memory_space<vmem>>, vector<1x16xf32>,
        %get3A_388 = vector.shape_cast %get3A_387 : vector<1x16xf32> to vector<16xf32>
        %mul3A_389 = arith.mulf %get3A_384, %get3A_388 : vector<16xf32>
        %swap3A_390 = arith.index_cast %add3A_354 : i32 to index
        %swap3A_391 = arith.constant 32 : index
        %swap3A_392 = tpu.vector_load %arg11[%swap3A_390, %swap3A_391] {strides = array<i32>} : memref<80x128xf32, #tpu.memory_space<vmem>>, vector<1x16xf32>,
        %swap3A_393 = vector.shape_cast %swap3A_392 : vector<1x16xf32> to vector<16xf32>
        %swap3A_394 = vector.shape_cast %mul3A_389 : vector<16xf32> to vector<1x16xf32>
        tpu.vector_store %arg11[%swap3A_390, %swap3A_391], %swap3A_394 {strides = array<i32>} : memref<80x128xf32, #tpu.memory_space<vmem>>, vector<1x16xf32>,
        %get3A_395 = arith.index_cast %add3A_354 : i32 to index
        %get3A_396 = arith.constant 48 : index
        %get3A_397 = tpu.vector_load %arg11[%get3A_395, %get3A_396] {strides = array<i32>} : memref<80x128xf32, #tpu.memory_space<vmem>>, vector<1x16xf32>,
        %get3A_398 = vector.shape_cast %get3A_397 : vector<1x16xf32> to vector<16xf32>
        %get3A_399 = arith.index_cast %add3A_354 : i32 to index
        %get3A_400 = arith.constant 48 : index
        %get3A_401 = tpu.vector_load %arg12[%get3A_399, %get3A_400] {strides = array<i32>} : memref<80x128xf32, #tpu.memory_space<vmem>>, vector<1x16xf32>,
        %get3A_402 = vector.shape_cast %get3A_401 : vector<1x16xf32> to vector<16xf32>
        %mul3A_403 = arith.mulf %get3A_398, %get3A_402 : vector<16xf32>
        %swap3A_404 = arith.index_cast %add3A_354 : i32 to index
        %swap3A_405 = arith.constant 48 : index
        %swap3A_406 = tpu.vector_load %arg11[%swap3A_404, %swap3A_405] {strides = array<i32>} : memref<80x128xf32, #tpu.memory_space<vmem>>, vector<1x16xf32>,
        %swap3A_407 = vector.shape_cast %swap3A_406 : vector<1x16xf32> to vector<16xf32>
        %swap3A_408 = vector.shape_cast %mul3A_403 : vector<16xf32> to vector<1x16xf32>
        tpu.vector_store %arg11[%swap3A_404, %swap3A_405], %swap3A_408 {strides = array<i32>} : memref<80x128xf32, #tpu.memory_space<vmem>>, vector<1x16xf32>,
        %get3A_409 = arith.index_cast %add3A_354 : i32 to index
        %get3A_410 = arith.constant 64 : index
        %get3A_411 = tpu.vector_load %arg11[%get3A_409, %get3A_410] {strides = array<i32>} : memref<80x128xf32, #tpu.memory_space<vmem>>, vector<1x16xf32>,
        %get3A_412 = vector.shape_cast %get3A_411 : vector<1x16xf32> to vector<16xf32>
        %get3A_413 = arith.index_cast %add3A_354 : i32 to index
        %get3A_414 = arith.constant 64 : index
        %get3A_415 = tpu.vector_load %arg12[%get3A_413, %get3A_414] {strides = array<i32>} : memref<80x128xf32, #tpu.memory_space<vmem>>, vector<1x16xf32>,
        %get3A_416 = vector.shape_cast %get3A_415 : vector<1x16xf32> to vector<16xf32>
        %mul3A_417 = arith.mulf %get3A_412, %get3A_416 : vector<16xf32>
        %swap3A_418 = arith.index_cast %add3A_354 : i32 to index
        %swap3A_419 = arith.constant 64 : index
        %swap3A_420 = tpu.vector_load %arg11[%swap3A_418, %swap3A_419] {strides = array<i32>} : memref<80x128xf32, #tpu.memory_space<vmem>>, vector<1x16xf32>,
        %swap3A_421 = vector.shape_cast %swap3A_420 : vector<1x16xf32> to vector<16xf32>
        %swap3A_422 = vector.shape_cast %mul3A_417 : vector<16xf32> to vector<1x16xf32>
        tpu.vector_store %arg11[%swap3A_418, %swap3A_419], %swap3A_422 {strides = array<i32>} : memref<80x128xf32, #tpu.memory_space<vmem>>, vector<1x16xf32>,
        %get3A_423 = arith.index_cast %add3A_354 : i32 to index
        %get3A_424 = arith.constant 80 : index
        %get3A_425 = tpu.vector_load %arg11[%get3A_423, %get3A_424] {strides = array<i32>} : memref<80x128xf32, #tpu.memory_space<vmem>>, vector<1x16xf32>,
        %get3A_426 = vector.shape_cast %get3A_425 : vector<1x16xf32> to vector<16xf32>
        %get3A_427 = arith.index_cast %add3A_354 : i32 to index
        %get3A_428 = arith.constant 80 : index
        %get3A_429 = tpu.vector_load %arg12[%get3A_427, %get3A_428] {strides = array<i32>} : memref<80x128xf32, #tpu.memory_space<vmem>>, vector<1x16xf32>,
        %get3A_430 = vector.shape_cast %get3A_429 : vector<1x16xf32> to vector<16xf32>
        %mul3A_431 = arith.mulf %get3A_426, %get3A_430 : vector<16xf32>
        %swap3A_432 = arith.index_cast %add3A_354 : i32 to index
        %swap3A_433 = arith.constant 80 : index
        %swap3A_434 = tpu.vector_load %arg11[%swap3A_432, %swap3A_433] {strides = array<i32>} : memref<80x128xf32, #tpu.memory_space<vmem>>, vector<1x16xf32>,
        %swap3A_435 = vector.shape_cast %swap3A_434 : vector<1x16xf32> to vector<16xf32>
        %swap3A_436 = vector.shape_cast %mul3A_431 : vector<16xf32> to vector<1x16xf32>
        tpu.vector_store %arg11[%swap3A_432, %swap3A_433], %swap3A_436 {strides = array<i32>} : memref<80x128xf32, #tpu.memory_space<vmem>>, vector<1x16xf32>,
        %get3A_437 = arith.index_cast %add3A_354 : i32 to index
        %get3A_438 = arith.constant 96 : index
        %get3A_439 = tpu.vector_load %arg11[%get3A_437, %get3A_438] {strides = array<i32>} : memref<80x128xf32, #tpu.memory_space<vmem>>, vector<1x16xf32>,
        %get3A_440 = vector.shape_cast %get3A_439 : vector<1x16xf32> to vector<16xf32>
        %get3A_441 = arith.index_cast %add3A_354 : i32 to index
        %get3A_442 = arith.constant 96 : index
        %get3A_443 = tpu.vector_load %arg12[%get3A_441, %get3A_442] {strides = array<i32>} : memref<80x128xf32, #tpu.memory_space<vmem>>, vector<1x16xf32>,
        %get3A_444 = vector.shape_cast %get3A_443 : vector<1x16xf32> to vector<16xf32>
        %mul3A_445 = arith.mulf %get3A_440, %get3A_444 : vector<16xf32>
        %swap3A_446 = arith.index_cast %add3A_354 : i32 to index
        %swap3A_447 = arith.constant 96 : index
        %swap3A_448 = tpu.vector_load %arg11[%swap3A_446, %swap3A_447] {strides = array<i32>} : memref<80x128xf32, #tpu.memory_space<vmem>>, vector<1x16xf32>,
        %swap3A_449 = vector.shape_cast %swap3A_448 : vector<1x16xf32> to vector<16xf32>
        %swap3A_450 = vector.shape_cast %mul3A_445 : vector<16xf32> to vector<1x16xf32>
        tpu.vector_store %arg11[%swap3A_446, %swap3A_447], %swap3A_450 {strides = array<i32>} : memref<80x128xf32, #tpu.memory_space<vmem>>, vector<1x16xf32>,
        %get3A_451 = arith.index_cast %add3A_354 : i32 to index
        %get3A_452 = arith.constant 112 : index
        %get3A_453 = tpu.vector_load %arg11[%get3A_451, %get3A_452] {strides = array<i32>} : memref<80x128xf32, #tpu.memory_space<vmem>>, vector<1x16xf32>,
        %get3A_454 = vector.shape_cast %get3A_453 : vector<1x16xf32> to vector<16xf32>
        %get3A_455 = arith.index_cast %add3A_354 : i32 to index
        %get3A_456 = arith.constant 112 : index
        %get3A_457 = tpu.vector_load %arg12[%get3A_455, %get3A_456] {strides = array<i32>} : memref<80x128xf32, #tpu.memory_space<vmem>>, vector<1x16xf32>,
        %get3A_458 = vector.shape_cast %get3A_457 : vector<1x16xf32> to vector<16xf32>
        %mul3A_459 = arith.mulf %get3A_454, %get3A_458 : vector<16xf32>
        %swap3A_460 = arith.index_cast %add3A_354 : i32 to index
        %swap3A_461 = arith.constant 112 : index
        %swap3A_462 = tpu.vector_load %arg11[%swap3A_460, %swap3A_461] {strides = array<i32>} : memref<80x128xf32, #tpu.memory_space<vmem>>, vector<1x16xf32>,
        %swap3A_463 = vector.shape_cast %swap3A_462 : vector<1x16xf32> to vector<16xf32>
        %swap3A_464 = vector.shape_cast %mul3A_459 : vector<16xf32> to vector<1x16xf32>
        tpu.vector_store %arg11[%swap3A_460, %swap3A_461], %swap3A_464 {strides = array<i32>} : memref<80x128xf32, #tpu.memory_space<vmem>>, vector<1x16xf32>,
      }
      %scan3A_244 = arith.constant 80 : i32
      %dma_start3A_245 = arith.constant 1 : i32
      %dma_start3A_246 = arith.constant 0 : i32
      %dma_start3A_247 = tpu.memref_slice %arg9[%dma_start3A_245, %dma_start3A_246] : memref<2x80xi32, #tpu.memory_space<vmem>> -> memref<1x80xi32, #tpu.memory_space<vmem>>
      %dma_start3A_248 = tpu.memref_squeeze %dma_start3A_247 : memref<1x80xi32, #tpu.memory_space<vmem>> -> memref<80xi32, #tpu.memory_space<vmem>>
      %dma_start3A_249 = arith.constant 0 : i32
      %dma_start3A_250 = arith.constant 0 : i32
      %dma_start3A_251 = tpu.memref_slice %arg15[%dma_start3A_249, %dma_start3A_250] : memref<10000x128xf32, #tpu.memory_space<vmem_shared>> -> memref<10000x128xf32, #tpu.memory_space<vmem_shared>>
      tpu.enqueue_indirect_dma source(%arg11 : memref<80x128xf32, #tpu.memory_space<vmem>>) target(%dma_start3A_251 : memref<10000x128xf32, #tpu.memory_space<vmem_shared>>) offsets(%dma_start3A_248 : memref<80xi32, #tpu.memory_space<vmem>>) semaphore(%arg22 : memref<!tpu.dma_semaphore, #tpu.memory_space<semaphore_mem>>) {add = true}
      %add3A_252 = arith.constant 2 : i32
      %add3A_253 = arith.addi %add3A_225, %add3A_252 : i32
      %lt3A_254 = arith.constant 125 : i32
      %lt3A_255 = arith.cmpi slt, %add3A_253, %lt3A_254 : i32
      %convert_element_type3A_256 = arith.extui %lt3A_255 : i1 to i32
      %cond3A_257 = arith.constant 0 : i32
      %cond3A_258 = arith.cmpi ne, %convert_element_type3A_256, %cond3A_257 : i32
      scf.if %cond3A_258 {
        %add3A_350 = arith.addi %mul3A_4, %add3A_253 : i32
        %dma_wait3A_351 = arith.constant 0 : i32
        %dma_wait3A_352 = arith.constant 0 : i32
        %dma_wait3A_353 = tpu.memref_slice %arg4[%add3A_350, %dma_wait3A_351, %dma_wait3A_352] : memref<4000x2x80xi32, #tpu.memory_space<hbm>> -> memref<1x2x80xi32, #tpu.memory_space<hbm>>
        %dma_wait3A_354 = tpu.memref_squeeze %dma_wait3A_353 : memref<1x2x80xi32, #tpu.memory_space<hbm>> -> memref<2x80xi32, #tpu.memory_space<hbm>>
        %dma_wait3A_355 = arith.constant 0 : i32
        %dma_wait3A_356 = arith.constant 0 : i32
        %dma_wait3A_357 = tpu.memref_slice %arg4[%add3A_350, %dma_wait3A_355, %dma_wait3A_356] : memref<4000x2x80xi32, #tpu.memory_space<hbm>> -> memref<1x2x80xi32, #tpu.memory_space<hbm>>
        %dma_wait3A_358 = tpu.memref_squeeze %dma_wait3A_357 : memref<1x2x80xi32, #tpu.memory_space<hbm>> -> memref<2x80xi32, #tpu.memory_space<hbm>>
        tpu.wait_dma2 semaphore(%arg16 : memref<!tpu.dma_semaphore, #tpu.memory_space<semaphore_mem>>) src(%dma_wait3A_358 : memref<2x80xi32, #tpu.memory_space<hbm>>) dst(%arg7 : memref<2x80xi32, #tpu.memory_space<vmem>>)
        %dma_start3A_359 = arith.constant 0 : i32
        %dma_start3A_360 = arith.constant 0 : i32
        %dma_start3A_361 = tpu.memref_slice %arg7[%dma_start3A_359, %dma_start3A_360] : memref<2x80xi32, #tpu.memory_space<vmem>> -> memref<1x80xi32, #tpu.memory_space<vmem>>
        %dma_start3A_362 = tpu.memref_squeeze %dma_start3A_361 : memref<1x80xi32, #tpu.memory_space<vmem>> -> memref<80xi32, #tpu.memory_space<vmem>>
        %dma_start3A_363 = arith.constant 0 : i32
        %dma_start3A_364 = arith.constant 0 : i32
        %dma_start3A_365 = tpu.memref_slice %arg3[%dma_start3A_363, %dma_start3A_364] : memref<10000x128xf32, #tpu.memory_space<hbm>> -> memref<10000x128xf32, #tpu.memory_space<hbm>>
        tpu.enqueue_indirect_dma source(%dma_start3A_365 : memref<10000x128xf32, #tpu.memory_space<hbm>>) target(%arg12 : memref<80x128xf32, #tpu.memory_space<vmem>>) offsets(%dma_start3A_362 : memref<80xi32, #tpu.memory_space<vmem>>) semaphore(%arg18 : memref<!tpu.dma_semaphore, #tpu.memory_space<semaphore_mem>>)
        %dma_wait3A_366 = arith.constant 1 : i32
        %dma_wait3A_367 = arith.constant 0 : i32
        %dma_wait3A_368 = tpu.memref_slice %arg7[%dma_wait3A_366, %dma_wait3A_367] : memref<2x80xi32, #tpu.memory_space<vmem>> -> memref<1x80xi32, #tpu.memory_space<vmem>>
        %dma_wait3A_369 = tpu.memref_squeeze %dma_wait3A_368 : memref<1x80xi32, #tpu.memory_space<vmem>> -> memref<80xi32, #tpu.memory_space<vmem>>
        %dma_wait3A_370 = arith.constant 0 : i32
        %dma_wait3A_371 = arith.constant 0 : i32
        %dma_wait3A_372 = tpu.memref_slice %arg15[%dma_wait3A_370, %dma_wait3A_371] : memref<10000x128xf32, #tpu.memory_space<vmem_shared>> -> memref<10000x128xf32, #tpu.memory_space<vmem_shared>>
        tpu.wait_indirect_dma semaphore(%arg22 : memref<!tpu.dma_semaphore, #tpu.memory_space<semaphore_mem>>) src(%arg11 : memref<80x128xf32, #tpu.memory_space<vmem>>) dst(%dma_wait3A_372 : memref<10000x128xf32, #tpu.memory_space<vmem_shared>>)
        %mul3A_373 = arith.constant 80 : i32
        %mul3A_374 = arith.muli %add3A_253, %mul3A_373 : i32
        %add3A_375 = arith.addi %mul3A_2, %mul3A_374 : i32
        %dma_start3A_376 = arith.constant 0 : i32
        %dma_start3A_377 = tpu.memref_slice %arg2[%add3A_375, %dma_start3A_376] : memref<320000x128xf32, #tpu.memory_space<hbm>> -> memref<80x128xf32, #tpu.memory_space<hbm>>
        %dma_start3A_378 = arith.constant 0 : i32
        %dma_start3A_379 = tpu.memref_slice %arg2[%add3A_375, %dma_start3A_378] : memref<320000x128xf32, #tpu.memory_space<hbm>> -> memref<80x128xf32, #tpu.memory_space<hbm>>
        tpu.enqueue_dma source(%dma_start3A_379 : memref<80x128xf32, #tpu.memory_space<hbm>>) target(%arg11 : memref<80x128xf32, #tpu.memory_space<vmem>>) target_semaphore(%arg19 : memref<!tpu.dma_semaphore, #tpu.memory_space<semaphore_mem>>)
      } else {
      }
      %add3A_259 = arith.constant 4 : i32
      %add3A_260 = arith.addi %add3A_225, %add3A_259 : i32
      %lt3A_261 = arith.constant 125 : i32
      %lt3A_262 = arith.cmpi slt, %add3A_260, %lt3A_261 : i32
      %convert_element_type3A_263 = arith.extui %lt3A_262 : i1 to i32
      %cond3A_264 = arith.constant 0 : i32
      %cond3A_265 = arith.cmpi ne, %convert_element_type3A_263, %cond3A_264 : i32
      scf.if %cond3A_265 {
        %add3A_350 = arith.addi %mul3A_4, %add3A_260 : i32
        %dma_start3A_351 = arith.constant 0 : i32
        %dma_start3A_352 = arith.constant 0 : i32
        %dma_start3A_353 = tpu.memref_slice %arg4[%add3A_350, %dma_start3A_351, %dma_start3A_352] : memref<4000x2x80xi32, #tpu.memory_space<hbm>> -> memref<1x2x80xi32, #tpu.memory_space<hbm>>
        %dma_start3A_354 = tpu.memref_squeeze %dma_start3A_353 : memref<1x2x80xi32, #tpu.memory_space<hbm>> -> memref<2x80xi32, #tpu.memory_space<hbm>>
        %dma_start3A_355 = arith.constant 0 : i32
        %dma_start3A_356 = arith.constant 0 : i32
        %dma_start3A_357 = tpu.memref_slice %arg4[%add3A_350, %dma_start3A_355, %dma_start3A_356] : memref<4000x2x80xi32, #tpu.memory_space<hbm>> -> memref<1x2x80xi32, #tpu.memory_space<hbm>>
        %dma_start3A_358 = tpu.memref_squeeze %dma_start3A_357 : memref<1x2x80xi32, #tpu.memory_space<hbm>> -> memref<2x80xi32, #tpu.memory_space<hbm>>
        tpu.enqueue_dma source(%dma_start3A_358 : memref<2x80xi32, #tpu.memory_space<hbm>>) target(%arg9 : memref<2x80xi32, #tpu.memory_space<vmem>>) target_semaphore(%arg16 : memref<!tpu.dma_semaphore, #tpu.memory_space<semaphore_mem>>)
      } else {
      }
      %add3A_266 = arith.constant 2 : i32
      %add3A_267 = arith.addi %add3A_184, %add3A_266 : i32
      %dma_wait3A_268 = arith.constant 0 : i32
      %dma_wait3A_269 = arith.constant 0 : i32
      %dma_wait3A_270 = tpu.memref_slice %arg10[%dma_wait3A_268, %dma_wait3A_269] : memref<2x80xi32, #tpu.memory_space<vmem>> -> memref<1x80xi32, #tpu.memory_space<vmem>>
      %dma_wait3A_271 = tpu.memref_squeeze %dma_wait3A_270 : memref<1x80xi32, #tpu.memory_space<vmem>> -> memref<80xi32, #tpu.memory_space<vmem>>
      %dma_wait3A_272 = arith.constant 0 : i32
      %dma_wait3A_273 = arith.constant 0 : i32
      %dma_wait3A_274 = tpu.memref_slice %arg3[%dma_wait3A_272, %dma_wait3A_273] : memref<10000x128xf32, #tpu.memory_space<hbm>> -> memref<10000x128xf32, #tpu.memory_space<hbm>>
      tpu.wait_indirect_dma semaphore(%arg20 : memref<!tpu.dma_semaphore, #tpu.memory_space<semaphore_mem>>) src(%dma_wait3A_274 : memref<10000x128xf32, #tpu.memory_space<hbm>>) dst(%arg14 : memref<80x128xf32, #tpu.memory_space<vmem>>)
      %mul3A_275 = arith.constant 80 : i32
      %mul3A_276 = arith.muli %add3A_267, %mul3A_275 : i32
      %add3A_277 = arith.addi %mul3A_2, %mul3A_276 : i32
      %dma_wait3A_278 = arith.constant 0 : i32
      %dma_wait3A_279 = tpu.memref_slice %arg2[%add3A_277, %dma_wait3A_278] : memref<320000x128xf32, #tpu.memory_space<hbm>> -> memref<80x128xf32, #tpu.memory_space<hbm>>
      %dma_wait3A_280 = arith.constant 0 : i32
      %dma_wait3A_281 = tpu.memref_slice %arg2[%add3A_277, %dma_wait3A_280] : memref<320000x128xf32, #tpu.memory_space<hbm>> -> memref<80x128xf32, #tpu.memory_space<hbm>>
      tpu.wait_dma2 semaphore(%arg21 : memref<!tpu.dma_semaphore, #tpu.memory_space<semaphore_mem>>) src(%dma_wait3A_281 : memref<80x128xf32, #tpu.memory_space<hbm>>) dst(%arg13 : memref<80x128xf32, #tpu.memory_space<vmem>>)
      %scan3A_282 = arith.constant 0 : i32
      %scan3A_283 = arith.constant 80 : i32
      %scan3A_284 = arith.addi %scan3A_282, %scan3A_283 : i32
      %scan3A_285 = arith.constant 1 : i32
      scf.for %scan3A_350 = %scan3A_282 to %scan3A_284 step %scan3A_285  : i32 {
        %mul3A_351 = arith.constant 1 : i32
        %mul3A_352 = arith.muli %scan3A_350, %mul3A_351 : i32
        %add3A_353 = arith.constant 0 : i32
        %add3A_354 = arith.addi %add3A_353, %mul3A_352 : i32
        %get3A = arith.index_cast %add3A_354 : i32 to index
        %get3A_355 = arith.constant 0 : index
        %get3A_356 = tpu.vector_load %arg13[%get3A, %get3A_355] {strides = array<i32>} : memref<80x128xf32, #tpu.memory_space<vmem>>, vector<1x16xf32>,
        %get3A_357 = vector.shape_cast %get3A_356 : vector<1x16xf32> to vector<16xf32>
        %get3A_358 = arith.index_cast %add3A_354 : i32 to index
        %get3A_359 = arith.constant 0 : index
        %get3A_360 = tpu.vector_load %arg14[%get3A_358, %get3A_359] {strides = array<i32>} : memref<80x128xf32, #tpu.memory_space<vmem>>, vector<1x16xf32>,
        %get3A_361 = vector.shape_cast %get3A_360 : vector<1x16xf32> to vector<16xf32>
        %mul3A_362 = arith.mulf %get3A_357, %get3A_361 : vector<16xf32>
        %swap3A = arith.index_cast %add3A_354 : i32 to index
        %swap3A_363 = arith.constant 0 : index
        %swap3A_364 = tpu.vector_load %arg13[%swap3A, %swap3A_363] {strides = array<i32>} : memref<80x128xf32, #tpu.memory_space<vmem>>, vector<1x16xf32>,
        %swap3A_365 = vector.shape_cast %swap3A_364 : vector<1x16xf32> to vector<16xf32>
        %swap3A_366 = vector.shape_cast %mul3A_362 : vector<16xf32> to vector<1x16xf32>
        tpu.vector_store %arg13[%swap3A, %swap3A_363], %swap3A_366 {strides = array<i32>} : memref<80x128xf32, #tpu.memory_space<vmem>>, vector<1x16xf32>,
        %get3A_367 = arith.index_cast %add3A_354 : i32 to index
        %get3A_368 = arith.constant 16 : index
        %get3A_369 = tpu.vector_load %arg13[%get3A_367, %get3A_368] {strides = array<i32>} : memref<80x128xf32, #tpu.memory_space<vmem>>, vector<1x16xf32>,
        %get3A_370 = vector.shape_cast %get3A_369 : vector<1x16xf32> to vector<16xf32>
        %get3A_371 = arith.index_cast %add3A_354 : i32 to index
        %get3A_372 = arith.constant 16 : index
        %get3A_373 = tpu.vector_load %arg14[%get3A_371, %get3A_372] {strides = array<i32>} : memref<80x128xf32, #tpu.memory_space<vmem>>, vector<1x16xf32>,
        %get3A_374 = vector.shape_cast %get3A_373 : vector<1x16xf32> to vector<16xf32>
        %mul3A_375 = arith.mulf %get3A_370, %get3A_374 : vector<16xf32>
        %swap3A_376 = arith.index_cast %add3A_354 : i32 to index
        %swap3A_377 = arith.constant 16 : index
        %swap3A_378 = tpu.vector_load %arg13[%swap3A_376, %swap3A_377] {strides = array<i32>} : memref<80x128xf32, #tpu.memory_space<vmem>>, vector<1x16xf32>,
        %swap3A_379 = vector.shape_cast %swap3A_378 : vector<1x16xf32> to vector<16xf32>
        %swap3A_380 = vector.shape_cast %mul3A_375 : vector<16xf32> to vector<1x16xf32>
        tpu.vector_store %arg13[%swap3A_376, %swap3A_377], %swap3A_380 {strides = array<i32>} : memref<80x128xf32, #tpu.memory_space<vmem>>, vector<1x16xf32>,
        %get3A_381 = arith.index_cast %add3A_354 : i32 to index
        %get3A_382 = arith.constant 32 : index
        %get3A_383 = tpu.vector_load %arg13[%get3A_381, %get3A_382] {strides = array<i32>} : memref<80x128xf32, #tpu.memory_space<vmem>>, vector<1x16xf32>,
        %get3A_384 = vector.shape_cast %get3A_383 : vector<1x16xf32> to vector<16xf32>
        %get3A_385 = arith.index_cast %add3A_354 : i32 to index
        %get3A_386 = arith.constant 32 : index
        %get3A_387 = tpu.vector_load %arg14[%get3A_385, %get3A_386] {strides = array<i32>} : memref<80x128xf32, #tpu.memory_space<vmem>>, vector<1x16xf32>,
        %get3A_388 = vector.shape_cast %get3A_387 : vector<1x16xf32> to vector<16xf32>
        %mul3A_389 = arith.mulf %get3A_384, %get3A_388 : vector<16xf32>
        %swap3A_390 = arith.index_cast %add3A_354 : i32 to index
        %swap3A_391 = arith.constant 32 : index
        %swap3A_392 = tpu.vector_load %arg13[%swap3A_390, %swap3A_391] {strides = array<i32>} : memref<80x128xf32, #tpu.memory_space<vmem>>, vector<1x16xf32>,
        %swap3A_393 = vector.shape_cast %swap3A_392 : vector<1x16xf32> to vector<16xf32>
        %swap3A_394 = vector.shape_cast %mul3A_389 : vector<16xf32> to vector<1x16xf32>
        tpu.vector_store %arg13[%swap3A_390, %swap3A_391], %swap3A_394 {strides = array<i32>} : memref<80x128xf32, #tpu.memory_space<vmem>>, vector<1x16xf32>,
        %get3A_395 = arith.index_cast %add3A_354 : i32 to index
        %get3A_396 = arith.constant 48 : index
        %get3A_397 = tpu.vector_load %arg13[%get3A_395, %get3A_396] {strides = array<i32>} : memref<80x128xf32, #tpu.memory_space<vmem>>, vector<1x16xf32>,
        %get3A_398 = vector.shape_cast %get3A_397 : vector<1x16xf32> to vector<16xf32>
        %get3A_399 = arith.index_cast %add3A_354 : i32 to index
        %get3A_400 = arith.constant 48 : index
        %get3A_401 = tpu.vector_load %arg14[%get3A_399, %get3A_400] {strides = array<i32>} : memref<80x128xf32, #tpu.memory_space<vmem>>, vector<1x16xf32>,
        %get3A_402 = vector.shape_cast %get3A_401 : vector<1x16xf32> to vector<16xf32>
        %mul3A_403 = arith.mulf %get3A_398, %get3A_402 : vector<16xf32>
        %swap3A_404 = arith.index_cast %add3A_354 : i32 to index
        %swap3A_405 = arith.constant 48 : index
        %swap3A_406 = tpu.vector_load %arg13[%swap3A_404, %swap3A_405] {strides = array<i32>} : memref<80x128xf32, #tpu.memory_space<vmem>>, vector<1x16xf32>,
        %swap3A_407 = vector.shape_cast %swap3A_406 : vector<1x16xf32> to vector<16xf32>
        %swap3A_408 = vector.shape_cast %mul3A_403 : vector<16xf32> to vector<1x16xf32>
        tpu.vector_store %arg13[%swap3A_404, %swap3A_405], %swap3A_408 {strides = array<i32>} : memref<80x128xf32, #tpu.memory_space<vmem>>, vector<1x16xf32>,
        %get3A_409 = arith.index_cast %add3A_354 : i32 to index
        %get3A_410 = arith.constant 64 : index
        %get3A_411 = tpu.vector_load %arg13[%get3A_409, %get3A_410] {strides = array<i32>} : memref<80x128xf32, #tpu.memory_space<vmem>>, vector<1x16xf32>,
        %get3A_412 = vector.shape_cast %get3A_411 : vector<1x16xf32> to vector<16xf32>
        %get3A_413 = arith.index_cast %add3A_354 : i32 to index
        %get3A_414 = arith.constant 64 : index
        %get3A_415 = tpu.vector_load %arg14[%get3A_413, %get3A_414] {strides = array<i32>} : memref<80x128xf32, #tpu.memory_space<vmem>>, vector<1x16xf32>,
        %get3A_416 = vector.shape_cast %get3A_415 : vector<1x16xf32> to vector<16xf32>
        %mul3A_417 = arith.mulf %get3A_412, %get3A_416 : vector<16xf32>
        %swap3A_418 = arith.index_cast %add3A_354 : i32 to index
        %swap3A_419 = arith.constant 64 : index
        %swap3A_420 = tpu.vector_load %arg13[%swap3A_418, %swap3A_419] {strides = array<i32>} : memref<80x128xf32, #tpu.memory_space<vmem>>, vector<1x16xf32>,
        %swap3A_421 = vector.shape_cast %swap3A_420 : vector<1x16xf32> to vector<16xf32>
        %swap3A_422 = vector.shape_cast %mul3A_417 : vector<16xf32> to vector<1x16xf32>
        tpu.vector_store %arg13[%swap3A_418, %swap3A_419], %swap3A_422 {strides = array<i32>} : memref<80x128xf32, #tpu.memory_space<vmem>>, vector<1x16xf32>,
        %get3A_423 = arith.index_cast %add3A_354 : i32 to index
        %get3A_424 = arith.constant 80 : index
        %get3A_425 = tpu.vector_load %arg13[%get3A_423, %get3A_424] {strides = array<i32>} : memref<80x128xf32, #tpu.memory_space<vmem>>, vector<1x16xf32>,
        %get3A_426 = vector.shape_cast %get3A_425 : vector<1x16xf32> to vector<16xf32>
        %get3A_427 = arith.index_cast %add3A_354 : i32 to index
        %get3A_428 = arith.constant 80 : index
        %get3A_429 = tpu.vector_load %arg14[%get3A_427, %get3A_428] {strides = array<i32>} : memref<80x128xf32, #tpu.memory_space<vmem>>, vector<1x16xf32>,
        %get3A_430 = vector.shape_cast %get3A_429 : vector<1x16xf32> to vector<16xf32>
        %mul3A_431 = arith.mulf %get3A_426, %get3A_430 : vector<16xf32>
        %swap3A_432 = arith.index_cast %add3A_354 : i32 to index
        %swap3A_433 = arith.constant 80 : index
        %swap3A_434 = tpu.vector_load %arg13[%swap3A_432, %swap3A_433] {strides = array<i32>} : memref<80x128xf32, #tpu.memory_space<vmem>>, vector<1x16xf32>,
        %swap3A_435 = vector.shape_cast %swap3A_434 : vector<1x16xf32> to vector<16xf32>
        %swap3A_436 = vector.shape_cast %mul3A_431 : vector<16xf32> to vector<1x16xf32>
        tpu.vector_store %arg13[%swap3A_432, %swap3A_433], %swap3A_436 {strides = array<i32>} : memref<80x128xf32, #tpu.memory_space<vmem>>, vector<1x16xf32>,
        %get3A_437 = arith.index_cast %add3A_354 : i32 to index
        %get3A_438 = arith.constant 96 : index
        %get3A_439 = tpu.vector_load %arg13[%get3A_437, %get3A_438] {strides = array<i32>} : memref<80x128xf32, #tpu.memory_space<vmem>>, vector<1x16xf32>,
        %get3A_440 = vector.shape_cast %get3A_439 : vector<1x16xf32> to vector<16xf32>
        %get3A_441 = arith.index_cast %add3A_354 : i32 to index
        %get3A_442 = arith.constant 96 : index
        %get3A_443 = tpu.vector_load %arg14[%get3A_441, %get3A_442] {strides = array<i32>} : memref<80x128xf32, #tpu.memory_space<vmem>>, vector<1x16xf32>,
        %get3A_444 = vector.shape_cast %get3A_443 : vector<1x16xf32> to vector<16xf32>
        %mul3A_445 = arith.mulf %get3A_440, %get3A_444 : vector<16xf32>
        %swap3A_446 = arith.index_cast %add3A_354 : i32 to index
        %swap3A_447 = arith.constant 96 : index
        %swap3A_448 = tpu.vector_load %arg13[%swap3A_446, %swap3A_447] {strides = array<i32>} : memref<80x128xf32, #tpu.memory_space<vmem>>, vector<1x16xf32>,
        %swap3A_449 = vector.shape_cast %swap3A_448 : vector<1x16xf32> to vector<16xf32>
        %swap3A_450 = vector.shape_cast %mul3A_445 : vector<16xf32> to vector<1x16xf32>
        tpu.vector_store %arg13[%swap3A_446, %swap3A_447], %swap3A_450 {strides = array<i32>} : memref<80x128xf32, #tpu.memory_space<vmem>>, vector<1x16xf32>,
        %get3A_451 = arith.index_cast %add3A_354 : i32 to index
        %get3A_452 = arith.constant 112 : index
        %get3A_453 = tpu.vector_load %arg13[%get3A_451, %get3A_452] {strides = array<i32>} : memref<80x128xf32, #tpu.memory_space<vmem>>, vector<1x16xf32>,
        %get3A_454 = vector.shape_cast %get3A_453 : vector<1x16xf32> to vector<16xf32>
        %get3A_455 = arith.index_cast %add3A_354 : i32 to index
        %get3A_456 = arith.constant 112 : index
        %get3A_457 = tpu.vector_load %arg14[%get3A_455, %get3A_456] {strides = array<i32>} : memref<80x128xf32, #tpu.memory_space<vmem>>, vector<1x16xf32>,
        %get3A_458 = vector.shape_cast %get3A_457 : vector<1x16xf32> to vector<16xf32>
        %mul3A_459 = arith.mulf %get3A_454, %get3A_458 : vector<16xf32>
        %swap3A_460 = arith.index_cast %add3A_354 : i32 to index
        %swap3A_461 = arith.constant 112 : index
        %swap3A_462 = tpu.vector_load %arg13[%swap3A_460, %swap3A_461] {strides = array<i32>} : memref<80x128xf32, #tpu.memory_space<vmem>>, vector<1x16xf32>,
        %swap3A_463 = vector.shape_cast %swap3A_462 : vector<1x16xf32> to vector<16xf32>
        %swap3A_464 = vector.shape_cast %mul3A_459 : vector<16xf32> to vector<1x16xf32>
        tpu.vector_store %arg13[%swap3A_460, %swap3A_461], %swap3A_464 {strides = array<i32>} : memref<80x128xf32, #tpu.memory_space<vmem>>, vector<1x16xf32>,
      }
      %scan3A_286 = arith.constant 80 : i32
      %dma_start3A_287 = arith.constant 1 : i32
      %dma_start3A_288 = arith.constant 0 : i32
      %dma_start3A_289 = tpu.memref_slice %arg10[%dma_start3A_287, %dma_start3A_288] : memref<2x80xi32, #tpu.memory_space<vmem>> -> memref<1x80xi32, #tpu.memory_space<vmem>>
      %dma_start3A_290 = tpu.memref_squeeze %dma_start3A_289 : memref<1x80xi32, #tpu.memory_space<vmem>> -> memref<80xi32, #tpu.memory_space<vmem>>
      %dma_start3A_291 = arith.constant 0 : i32
      %dma_start3A_292 = arith.constant 0 : i32
      %dma_start3A_293 = tpu.memref_slice %arg15[%dma_start3A_291, %dma_start3A_292] : memref<10000x128xf32, #tpu.memory_space<vmem_shared>> -> memref<10000x128xf32, #tpu.memory_space<vmem_shared>>
      tpu.enqueue_indirect_dma source(%arg13 : memref<80x128xf32, #tpu.memory_space<vmem>>) target(%dma_start3A_293 : memref<10000x128xf32, #tpu.memory_space<vmem_shared>>) offsets(%dma_start3A_290 : memref<80xi32, #tpu.memory_space<vmem>>) semaphore(%arg23 : memref<!tpu.dma_semaphore, #tpu.memory_space<semaphore_mem>>) {add = true}
      %add3A_294 = arith.constant 2 : i32
      %add3A_295 = arith.addi %add3A_267, %add3A_294 : i32
      %lt3A_296 = arith.constant 125 : i32
      %lt3A_297 = arith.cmpi slt, %add3A_295, %lt3A_296 : i32
      %convert_element_type3A_298 = arith.extui %lt3A_297 : i1 to i32
      %cond3A_299 = arith.constant 0 : i32
      %cond3A_300 = arith.cmpi ne, %convert_element_type3A_298, %cond3A_299 : i32
      scf.if %cond3A_300 {
        %add3A_350 = arith.addi %mul3A_4, %add3A_295 : i32
        %dma_wait3A_351 = arith.constant 0 : i32
        %dma_wait3A_352 = arith.constant 0 : i32
        %dma_wait3A_353 = tpu.memref_slice %arg4[%add3A_350, %dma_wait3A_351, %dma_wait3A_352] : memref<4000x2x80xi32, #tpu.memory_space<hbm>> -> memref<1x2x80xi32, #tpu.memory_space<hbm>>
        %dma_wait3A_354 = tpu.memref_squeeze %dma_wait3A_353 : memref<1x2x80xi32, #tpu.memory_space<hbm>> -> memref<2x80xi32, #tpu.memory_space<hbm>>
        %dma_wait3A_355 = arith.constant 0 : i32
        %dma_wait3A_356 = arith.constant 0 : i32
        %dma_wait3A_357 = tpu.memref_slice %arg4[%add3A_350, %dma_wait3A_355, %dma_wait3A_356] : memref<4000x2x80xi32, #tpu.memory_space<hbm>> -> memref<1x2x80xi32, #tpu.memory_space<hbm>>
        %dma_wait3A_358 = tpu.memref_squeeze %dma_wait3A_357 : memref<1x2x80xi32, #tpu.memory_space<hbm>> -> memref<2x80xi32, #tpu.memory_space<hbm>>
        tpu.wait_dma2 semaphore(%arg17 : memref<!tpu.dma_semaphore, #tpu.memory_space<semaphore_mem>>) src(%dma_wait3A_358 : memref<2x80xi32, #tpu.memory_space<hbm>>) dst(%arg8 : memref<2x80xi32, #tpu.memory_space<vmem>>)
        %dma_start3A_359 = arith.constant 0 : i32
        %dma_start3A_360 = arith.constant 0 : i32
        %dma_start3A_361 = tpu.memref_slice %arg8[%dma_start3A_359, %dma_start3A_360] : memref<2x80xi32, #tpu.memory_space<vmem>> -> memref<1x80xi32, #tpu.memory_space<vmem>>
        %dma_start3A_362 = tpu.memref_squeeze %dma_start3A_361 : memref<1x80xi32, #tpu.memory_space<vmem>> -> memref<80xi32, #tpu.memory_space<vmem>>
        %dma_start3A_363 = arith.constant 0 : i32
        %dma_start3A_364 = arith.constant 0 : i32
        %dma_start3A_365 = tpu.memref_slice %arg3[%dma_start3A_363, %dma_start3A_364] : memref<10000x128xf32, #tpu.memory_space<hbm>> -> memref<10000x128xf32, #tpu.memory_space<hbm>>
        tpu.enqueue_indirect_dma source(%dma_start3A_365 : memref<10000x128xf32, #tpu.memory_space<hbm>>) target(%arg14 : memref<80x128xf32, #tpu.memory_space<vmem>>) offsets(%dma_start3A_362 : memref<80xi32, #tpu.memory_space<vmem>>) semaphore(%arg20 : memref<!tpu.dma_semaphore, #tpu.memory_space<semaphore_mem>>)
        %dma_wait3A_366 = arith.constant 1 : i32
        %dma_wait3A_367 = arith.constant 0 : i32
        %dma_wait3A_368 = tpu.memref_slice %arg8[%dma_wait3A_366, %dma_wait3A_367] : memref<2x80xi32, #tpu.memory_space<vmem>> -> memref<1x80xi32, #tpu.memory_space<vmem>>
        %dma_wait3A_369 = tpu.memref_squeeze %dma_wait3A_368 : memref<1x80xi32, #tpu.memory_space<vmem>> -> memref<80xi32, #tpu.memory_space<vmem>>
        %dma_wait3A_370 = arith.constant 0 : i32
        %dma_wait3A_371 = arith.constant 0 : i32
        %dma_wait3A_372 = tpu.memref_slice %arg15[%dma_wait3A_370, %dma_wait3A_371] : memref<10000x128xf32, #tpu.memory_space<vmem_shared>> -> memref<10000x128xf32, #tpu.memory_space<vmem_shared>>
        tpu.wait_indirect_dma semaphore(%arg23 : memref<!tpu.dma_semaphore, #tpu.memory_space<semaphore_mem>>) src(%arg13 : memref<80x128xf32, #tpu.memory_space<vmem>>) dst(%dma_wait3A_372 : memref<10000x128xf32, #tpu.memory_space<vmem_shared>>)
        %mul3A_373 = arith.constant 80 : i32
        %mul3A_374 = arith.muli %add3A_295, %mul3A_373 : i32
        %add3A_375 = arith.addi %mul3A_2, %mul3A_374 : i32
        %dma_start3A_376 = arith.constant 0 : i32
        %dma_start3A_377 = tpu.memref_slice %arg2[%add3A_375, %dma_start3A_376] : memref<320000x128xf32, #tpu.memory_space<hbm>> -> memref<80x128xf32, #tpu.memory_space<hbm>>
        %dma_start3A_378 = arith.constant 0 : i32
        %dma_start3A_379 = tpu.memref_slice %arg2[%add3A_375, %dma_start3A_378] : memref<320000x128xf32, #tpu.memory_space<hbm>> -> memref<80x128xf32, #tpu.memory_space<hbm>>
        tpu.enqueue_dma source(%dma_start3A_379 : memref<80x128xf32, #tpu.memory_space<hbm>>) target(%arg13 : memref<80x128xf32, #tpu.memory_space<vmem>>) target_semaphore(%arg21 : memref<!tpu.dma_semaphore, #tpu.memory_space<semaphore_mem>>)
      } else {
      }
      %add3A_301 = arith.constant 4 : i32
      %add3A_302 = arith.addi %add3A_267, %add3A_301 : i32
      %lt3A_303 = arith.constant 125 : i32
      %lt3A_304 = arith.cmpi slt, %add3A_302, %lt3A_303 : i32
      %convert_element_type3A_305 = arith.extui %lt3A_304 : i1 to i32
      %cond3A_306 = arith.constant 0 : i32
      %cond3A_307 = arith.cmpi ne, %convert_element_type3A_305, %cond3A_306 : i32
      scf.if %cond3A_307 {
        %add3A_350 = arith.addi %mul3A_4, %add3A_302 : i32
        %dma_start3A_351 = arith.constant 0 : i32
        %dma_start3A_352 = arith.constant 0 : i32
        %dma_start3A_353 = tpu.memref_slice %arg4[%add3A_350, %dma_start3A_351, %dma_start3A_352] : memref<4000x2x80xi32, #tpu.memory_space<hbm>> -> memref<1x2x80xi32, #tpu.memory_space<hbm>>
        %dma_start3A_354 = tpu.memref_squeeze %dma_start3A_353 : memref<1x2x80xi32, #tpu.memory_space<hbm>> -> memref<2x80xi32, #tpu.memory_space<hbm>>
        %dma_start3A_355 = arith.constant 0 : i32
        %dma_start3A_356 = arith.constant 0 : i32
        %dma_start3A_357 = tpu.memref_slice %arg4[%add3A_350, %dma_start3A_355, %dma_start3A_356] : memref<4000x2x80xi32, #tpu.memory_space<hbm>> -> memref<1x2x80xi32, #tpu.memory_space<hbm>>
        %dma_start3A_358 = tpu.memref_squeeze %dma_start3A_357 : memref<1x2x80xi32, #tpu.memory_space<hbm>> -> memref<2x80xi32, #tpu.memory_space<hbm>>
        tpu.enqueue_dma source(%dma_start3A_358 : memref<2x80xi32, #tpu.memory_space<hbm>>) target(%arg10 : memref<2x80xi32, #tpu.memory_space<vmem>>) target_semaphore(%arg17 : memref<!tpu.dma_semaphore, #tpu.memory_space<semaphore_mem>>)
      } else {
      }
      %add3A_308 = arith.constant 3 : i32
      %add3A_309 = arith.addi %add3A_184, %add3A_308 : i32
      %dma_wait3A_310 = arith.constant 0 : i32
      %dma_wait3A_311 = arith.constant 0 : i32
      %dma_wait3A_312 = tpu.memref_slice %arg7[%dma_wait3A_310, %dma_wait3A_311] : memref<2x80xi32, #tpu.memory_space<vmem>> -> memref<1x80xi32, #tpu.memory_space<vmem>>
      %dma_wait3A_313 = tpu.memref_squeeze %dma_wait3A_312 : memref<1x80xi32, #tpu.memory_space<vmem>> -> memref<80xi32, #tpu.memory_space<vmem>>
      %dma_wait3A_314 = arith.constant 0 : i32
      %dma_wait3A_315 = arith.constant 0 : i32
      %dma_wait3A_316 = tpu.memref_slice %arg3[%dma_wait3A_314, %dma_wait3A_315] : memref<10000x128xf32, #tpu.memory_space<hbm>> -> memref<10000x128xf32, #tpu.memory_space<hbm>>
      tpu.wait_indirect_dma semaphore(%arg18 : memref<!tpu.dma_semaphore, #tpu.memory_space<semaphore_mem>>) src(%dma_wait3A_316 : memref<10000x128xf32, #tpu.memory_space<hbm>>) dst(%arg12 : memref<80x128xf32, #tpu.memory_space<vmem>>)
      %mul3A_317 = arith.constant 80 : i32
      %mul3A_318 = arith.muli %add3A_309, %mul3A_317 : i32
      %add3A_319 = arith.addi %mul3A_2, %mul3A_318 : i32
      %dma_wait3A_320 = arith.constant 0 : i32
      %dma_wait3A_321 = tpu.memref_slice %arg2[%add3A_319, %dma_wait3A_320] : memref<320000x128xf32, #tpu.memory_space<hbm>> -> memref<80x128xf32, #tpu.memory_space<hbm>>
      %dma_wait3A_322 = arith.constant 0 : i32
      %dma_wait3A_323 = tpu.memref_slice %arg2[%add3A_319, %dma_wait3A_322] : memref<320000x128xf32, #tpu.memory_space<hbm>> -> memref<80x128xf32, #tpu.memory_space<hbm>>
      tpu.wait_dma2 semaphore(%arg19 : memref<!tpu.dma_semaphore, #tpu.memory_space<semaphore_mem>>) src(%dma_wait3A_323 : memref<80x128xf32, #tpu.memory_space<hbm>>) dst(%arg11 : memref<80x128xf32, #tpu.memory_space<vmem>>)
      %scan3A_324 = arith.constant 0 : i32
      %scan3A_325 = arith.constant 80 : i32
      %scan3A_326 = arith.addi %scan3A_324, %scan3A_325 : i32
      %scan3A_327 = arith.constant 1 : i32
      scf.for %scan3A_350 = %scan3A_324 to %scan3A_326 step %scan3A_327  : i32 {
        %mul3A_351 = arith.constant 1 : i32
        %mul3A_352 = arith.muli %scan3A_350, %mul3A_351 : i32
        %add3A_353 = arith.constant 0 : i32
        %add3A_354 = arith.addi %add3A_353, %mul3A_352 : i32
        %get3A = arith.index_cast %add3A_354 : i32 to index
        %get3A_355 = arith.constant 0 : index
        %get3A_356 = tpu.vector_load %arg11[%get3A, %get3A_355] {strides = array<i32>} : memref<80x128xf32, #tpu.memory_space<vmem>>, vector<1x16xf32>,
        %get3A_357 = vector.shape_cast %get3A_356 : vector<1x16xf32> to vector<16xf32>
        %get3A_358 = arith.index_cast %add3A_354 : i32 to index
        %get3A_359 = arith.constant 0 : index
        %get3A_360 = tpu.vector_load %arg12[%get3A_358, %get3A_359] {strides = array<i32>} : memref<80x128xf32, #tpu.memory_space<vmem>>, vector<1x16xf32>,
        %get3A_361 = vector.shape_cast %get3A_360 : vector<1x16xf32> to vector<16xf32>
        %mul3A_362 = arith.mulf %get3A_357, %get3A_361 : vector<16xf32>
        %swap3A = arith.index_cast %add3A_354 : i32 to index
        %swap3A_363 = arith.constant 0 : index
        %swap3A_364 = tpu.vector_load %arg11[%swap3A, %swap3A_363] {strides = array<i32>} : memref<80x128xf32, #tpu.memory_space<vmem>>, vector<1x16xf32>,
        %swap3A_365 = vector.shape_cast %swap3A_364 : vector<1x16xf32> to vector<16xf32>
        %swap3A_366 = vector.shape_cast %mul3A_362 : vector<16xf32> to vector<1x16xf32>
        tpu.vector_store %arg11[%swap3A, %swap3A_363], %swap3A_366 {strides = array<i32>} : memref<80x128xf32, #tpu.memory_space<vmem>>, vector<1x16xf32>,
        %get3A_367 = arith.index_cast %add3A_354 : i32 to index
        %get3A_368 = arith.constant 16 : index
        %get3A_369 = tpu.vector_load %arg11[%get3A_367, %get3A_368] {strides = array<i32>} : memref<80x128xf32, #tpu.memory_space<vmem>>, vector<1x16xf32>,
        %get3A_370 = vector.shape_cast %get3A_369 : vector<1x16xf32> to vector<16xf32>
        %get3A_371 = arith.index_cast %add3A_354 : i32 to index
        %get3A_372 = arith.constant 16 : index
        %get3A_373 = tpu.vector_load %arg12[%get3A_371, %get3A_372] {strides = array<i32>} : memref<80x128xf32, #tpu.memory_space<vmem>>, vector<1x16xf32>,
        %get3A_374 = vector.shape_cast %get3A_373 : vector<1x16xf32> to vector<16xf32>
        %mul3A_375 = arith.mulf %get3A_370, %get3A_374 : vector<16xf32>
        %swap3A_376 = arith.index_cast %add3A_354 : i32 to index
        %swap3A_377 = arith.constant 16 : index
        %swap3A_378 = tpu.vector_load %arg11[%swap3A_376, %swap3A_377] {strides = array<i32>} : memref<80x128xf32, #tpu.memory_space<vmem>>, vector<1x16xf32>,
        %swap3A_379 = vector.shape_cast %swap3A_378 : vector<1x16xf32> to vector<16xf32>
        %swap3A_380 = vector.shape_cast %mul3A_375 : vector<16xf32> to vector<1x16xf32>
        tpu.vector_store %arg11[%swap3A_376, %swap3A_377], %swap3A_380 {strides = array<i32>} : memref<80x128xf32, #tpu.memory_space<vmem>>, vector<1x16xf32>,
        %get3A_381 = arith.index_cast %add3A_354 : i32 to index
        %get3A_382 = arith.constant 32 : index
        %get3A_383 = tpu.vector_load %arg11[%get3A_381, %get3A_382] {strides = array<i32>} : memref<80x128xf32, #tpu.memory_space<vmem>>, vector<1x16xf32>,
        %get3A_384 = vector.shape_cast %get3A_383 : vector<1x16xf32> to vector<16xf32>
        %get3A_385 = arith.index_cast %add3A_354 : i32 to index
        %get3A_386 = arith.constant 32 : index
        %get3A_387 = tpu.vector_load %arg12[%get3A_385, %get3A_386] {strides = array<i32>} : memref<80x128xf32, #tpu.memory_space<vmem>>, vector<1x16xf32>,
        %get3A_388 = vector.shape_cast %get3A_387 : vector<1x16xf32> to vector<16xf32>
        %mul3A_389 = arith.mulf %get3A_384, %get3A_388 : vector<16xf32>
        %swap3A_390 = arith.index_cast %add3A_354 : i32 to index
        %swap3A_391 = arith.constant 32 : index
        %swap3A_392 = tpu.vector_load %arg11[%swap3A_390, %swap3A_391] {strides = array<i32>} : memref<80x128xf32, #tpu.memory_space<vmem>>, vector<1x16xf32>,
        %swap3A_393 = vector.shape_cast %swap3A_392 : vector<1x16xf32> to vector<16xf32>
        %swap3A_394 = vector.shape_cast %mul3A_389 : vector<16xf32> to vector<1x16xf32>
        tpu.vector_store %arg11[%swap3A_390, %swap3A_391], %swap3A_394 {strides = array<i32>} : memref<80x128xf32, #tpu.memory_space<vmem>>, vector<1x16xf32>,
        %get3A_395 = arith.index_cast %add3A_354 : i32 to index
        %get3A_396 = arith.constant 48 : index
        %get3A_397 = tpu.vector_load %arg11[%get3A_395, %get3A_396] {strides = array<i32>} : memref<80x128xf32, #tpu.memory_space<vmem>>, vector<1x16xf32>,
        %get3A_398 = vector.shape_cast %get3A_397 : vector<1x16xf32> to vector<16xf32>
        %get3A_399 = arith.index_cast %add3A_354 : i32 to index
        %get3A_400 = arith.constant 48 : index
        %get3A_401 = tpu.vector_load %arg12[%get3A_399, %get3A_400] {strides = array<i32>} : memref<80x128xf32, #tpu.memory_space<vmem>>, vector<1x16xf32>,
        %get3A_402 = vector.shape_cast %get3A_401 : vector<1x16xf32> to vector<16xf32>
        %mul3A_403 = arith.mulf %get3A_398, %get3A_402 : vector<16xf32>
        %swap3A_404 = arith.index_cast %add3A_354 : i32 to index
        %swap3A_405 = arith.constant 48 : index
        %swap3A_406 = tpu.vector_load %arg11[%swap3A_404, %swap3A_405] {strides = array<i32>} : memref<80x128xf32, #tpu.memory_space<vmem>>, vector<1x16xf32>,
        %swap3A_407 = vector.shape_cast %swap3A_406 : vector<1x16xf32> to vector<16xf32>
        %swap3A_408 = vector.shape_cast %mul3A_403 : vector<16xf32> to vector<1x16xf32>
        tpu.vector_store %arg11[%swap3A_404, %swap3A_405], %swap3A_408 {strides = array<i32>} : memref<80x128xf32, #tpu.memory_space<vmem>>, vector<1x16xf32>,
        %get3A_409 = arith.index_cast %add3A_354 : i32 to index
        %get3A_410 = arith.constant 64 : index
        %get3A_411 = tpu.vector_load %arg11[%get3A_409, %get3A_410] {strides = array<i32>} : memref<80x128xf32, #tpu.memory_space<vmem>>, vector<1x16xf32>,
        %get3A_412 = vector.shape_cast %get3A_411 : vector<1x16xf32> to vector<16xf32>
        %get3A_413 = arith.index_cast %add3A_354 : i32 to index
        %get3A_414 = arith.constant 64 : index
        %get3A_415 = tpu.vector_load %arg12[%get3A_413, %get3A_414] {strides = array<i32>} : memref<80x128xf32, #tpu.memory_space<vmem>>, vector<1x16xf32>,
        %get3A_416 = vector.shape_cast %get3A_415 : vector<1x16xf32> to vector<16xf32>
        %mul3A_417 = arith.mulf %get3A_412, %get3A_416 : vector<16xf32>
        %swap3A_418 = arith.index_cast %add3A_354 : i32 to index
        %swap3A_419 = arith.constant 64 : index
        %swap3A_420 = tpu.vector_load %arg11[%swap3A_418, %swap3A_419] {strides = array<i32>} : memref<80x128xf32, #tpu.memory_space<vmem>>, vector<1x16xf32>,
        %swap3A_421 = vector.shape_cast %swap3A_420 : vector<1x16xf32> to vector<16xf32>
        %swap3A_422 = vector.shape_cast %mul3A_417 : vector<16xf32> to vector<1x16xf32>
        tpu.vector_store %arg11[%swap3A_418, %swap3A_419], %swap3A_422 {strides = array<i32>} : memref<80x128xf32, #tpu.memory_space<vmem>>, vector<1x16xf32>,
        %get3A_423 = arith.index_cast %add3A_354 : i32 to index
        %get3A_424 = arith.constant 80 : index
        %get3A_425 = tpu.vector_load %arg11[%get3A_423, %get3A_424] {strides = array<i32>} : memref<80x128xf32, #tpu.memory_space<vmem>>, vector<1x16xf32>,
        %get3A_426 = vector.shape_cast %get3A_425 : vector<1x16xf32> to vector<16xf32>
        %get3A_427 = arith.index_cast %add3A_354 : i32 to index
        %get3A_428 = arith.constant 80 : index
        %get3A_429 = tpu.vector_load %arg12[%get3A_427, %get3A_428] {strides = array<i32>} : memref<80x128xf32, #tpu.memory_space<vmem>>, vector<1x16xf32>,
        %get3A_430 = vector.shape_cast %get3A_429 : vector<1x16xf32> to vector<16xf32>
        %mul3A_431 = arith.mulf %get3A_426, %get3A_430 : vector<16xf32>
        %swap3A_432 = arith.index_cast %add3A_354 : i32 to index
        %swap3A_433 = arith.constant 80 : index
        %swap3A_434 = tpu.vector_load %arg11[%swap3A_432, %swap3A_433] {strides = array<i32>} : memref<80x128xf32, #tpu.memory_space<vmem>>, vector<1x16xf32>,
        %swap3A_435 = vector.shape_cast %swap3A_434 : vector<1x16xf32> to vector<16xf32>
        %swap3A_436 = vector.shape_cast %mul3A_431 : vector<16xf32> to vector<1x16xf32>
        tpu.vector_store %arg11[%swap3A_432, %swap3A_433], %swap3A_436 {strides = array<i32>} : memref<80x128xf32, #tpu.memory_space<vmem>>, vector<1x16xf32>,
        %get3A_437 = arith.index_cast %add3A_354 : i32 to index
        %get3A_438 = arith.constant 96 : index
        %get3A_439 = tpu.vector_load %arg11[%get3A_437, %get3A_438] {strides = array<i32>} : memref<80x128xf32, #tpu.memory_space<vmem>>, vector<1x16xf32>,
        %get3A_440 = vector.shape_cast %get3A_439 : vector<1x16xf32> to vector<16xf32>
        %get3A_441 = arith.index_cast %add3A_354 : i32 to index
        %get3A_442 = arith.constant 96 : index
        %get3A_443 = tpu.vector_load %arg12[%get3A_441, %get3A_442] {strides = array<i32>} : memref<80x128xf32, #tpu.memory_space<vmem>>, vector<1x16xf32>,
        %get3A_444 = vector.shape_cast %get3A_443 : vector<1x16xf32> to vector<16xf32>
        %mul3A_445 = arith.mulf %get3A_440, %get3A_444 : vector<16xf32>
        %swap3A_446 = arith.index_cast %add3A_354 : i32 to index
        %swap3A_447 = arith.constant 96 : index
        %swap3A_448 = tpu.vector_load %arg11[%swap3A_446, %swap3A_447] {strides = array<i32>} : memref<80x128xf32, #tpu.memory_space<vmem>>, vector<1x16xf32>,
        %swap3A_449 = vector.shape_cast %swap3A_448 : vector<1x16xf32> to vector<16xf32>
        %swap3A_450 = vector.shape_cast %mul3A_445 : vector<16xf32> to vector<1x16xf32>
        tpu.vector_store %arg11[%swap3A_446, %swap3A_447], %swap3A_450 {strides = array<i32>} : memref<80x128xf32, #tpu.memory_space<vmem>>, vector<1x16xf32>,
        %get3A_451 = arith.index_cast %add3A_354 : i32 to index
        %get3A_452 = arith.constant 112 : index
        %get3A_453 = tpu.vector_load %arg11[%get3A_451, %get3A_452] {strides = array<i32>} : memref<80x128xf32, #tpu.memory_space<vmem>>, vector<1x16xf32>,
        %get3A_454 = vector.shape_cast %get3A_453 : vector<1x16xf32> to vector<16xf32>
        %get3A_455 = arith.index_cast %add3A_354 : i32 to index
        %get3A_456 = arith.constant 112 : index
        %get3A_457 = tpu.vector_load %arg12[%get3A_455, %get3A_456] {strides = array<i32>} : memref<80x128xf32, #tpu.memory_space<vmem>>, vector<1x16xf32>,
        %get3A_458 = vector.shape_cast %get3A_457 : vector<1x16xf32> to vector<16xf32>
        %mul3A_459 = arith.mulf %get3A_454, %get3A_458 : vector<16xf32>
        %swap3A_460 = arith.index_cast %add3A_354 : i32 to index
        %swap3A_461 = arith.constant 112 : index
        %swap3A_462 = tpu.vector_load %arg11[%swap3A_460, %swap3A_461] {strides = array<i32>} : memref<80x128xf32, #tpu.memory_space<vmem>>, vector<1x16xf32>,
        %swap3A_463 = vector.shape_cast %swap3A_462 : vector<1x16xf32> to vector<16xf32>
        %swap3A_464 = vector.shape_cast %mul3A_459 : vector<16xf32> to vector<1x16xf32>
        tpu.vector_store %arg11[%swap3A_460, %swap3A_461], %swap3A_464 {strides = array<i32>} : memref<80x128xf32, #tpu.memory_space<vmem>>, vector<1x16xf32>,
      }
      %scan3A_328 = arith.constant 80 : i32
      %dma_start3A_329 = arith.constant 1 : i32
      %dma_start3A_330 = arith.constant 0 : i32
      %dma_start3A_331 = tpu.memref_slice %arg7[%dma_start3A_329, %dma_start3A_330] : memref<2x80xi32, #tpu.memory_space<vmem>> -> memref<1x80xi32, #tpu.memory_space<vmem>>
      %dma_start3A_332 = tpu.memref_squeeze %dma_start3A_331 : memref<1x80xi32, #tpu.memory_space<vmem>> -> memref<80xi32, #tpu.memory_space<vmem>>
      %dma_start3A_333 = arith.constant 0 : i32
      %dma_start3A_334 = arith.constant 0 : i32
      %dma_start3A_335 = tpu.memref_slice %arg15[%dma_start3A_333, %dma_start3A_334] : memref<10000x128xf32, #tpu.memory_space<vmem_shared>> -> memref<10000x128xf32, #tpu.memory_space<vmem_shared>>
      tpu.enqueue_indirect_dma source(%arg11 : memref<80x128xf32, #tpu.memory_space<vmem>>) target(%dma_start3A_335 : memref<10000x128xf32, #tpu.memory_space<vmem_shared>>) offsets(%dma_start3A_332 : memref<80xi32, #tpu.memory_space<vmem>>) semaphore(%arg22 : memref<!tpu.dma_semaphore, #tpu.memory_space<semaphore_mem>>) {add = true}
      %add3A_336 = arith.constant 2 : i32
      %add3A_337 = arith.addi %add3A_309, %add3A_336 : i32
      %lt3A_338 = arith.constant 125 : i32
      %lt3A_339 = arith.cmpi slt, %add3A_337, %lt3A_338 : i32
      %convert_element_type3A_340 = arith.extui %lt3A_339 : i1 to i32
      %cond3A_341 = arith.constant 0 : i32
      %cond3A_342 = arith.cmpi ne, %convert_element_type3A_340, %cond3A_341 : i32
      scf.if %cond3A_342 {
        %add3A_350 = arith.addi %mul3A_4, %add3A_337 : i32
        %dma_wait3A_351 = arith.constant 0 : i32
        %dma_wait3A_352 = arith.constant 0 : i32
        %dma_wait3A_353 = tpu.memref_slice %arg4[%add3A_350, %dma_wait3A_351, %dma_wait3A_352] : memref<4000x2x80xi32, #tpu.memory_space<hbm>> -> memref<1x2x80xi32, #tpu.memory_space<hbm>>
        %dma_wait3A_354 = tpu.memref_squeeze %dma_wait3A_353 : memref<1x2x80xi32, #tpu.memory_space<hbm>> -> memref<2x80xi32, #tpu.memory_space<hbm>>
        %dma_wait3A_355 = arith.constant 0 : i32
        %dma_wait3A_356 = arith.constant 0 : i32
        %dma_wait3A_357 = tpu.memref_slice %arg4[%add3A_350, %dma_wait3A_355, %dma_wait3A_356] : memref<4000x2x80xi32, #tpu.memory_space<hbm>> -> memref<1x2x80xi32, #tpu.memory_space<hbm>>
        %dma_wait3A_358 = tpu.memref_squeeze %dma_wait3A_357 : memref<1x2x80xi32, #tpu.memory_space<hbm>> -> memref<2x80xi32, #tpu.memory_space<hbm>>
        tpu.wait_dma2 semaphore(%arg16 : memref<!tpu.dma_semaphore, #tpu.memory_space<semaphore_mem>>) src(%dma_wait3A_358 : memref<2x80xi32, #tpu.memory_space<hbm>>) dst(%arg9 : memref<2x80xi32, #tpu.memory_space<vmem>>)
        %dma_start3A_359 = arith.constant 0 : i32
        %dma_start3A_360 = arith.constant 0 : i32
        %dma_start3A_361 = tpu.memref_slice %arg9[%dma_start3A_359, %dma_start3A_360] : memref<2x80xi32, #tpu.memory_space<vmem>> -> memref<1x80xi32, #tpu.memory_space<vmem>>
        %dma_start3A_362 = tpu.memref_squeeze %dma_start3A_361 : memref<1x80xi32, #tpu.memory_space<vmem>> -> memref<80xi32, #tpu.memory_space<vmem>>
        %dma_start3A_363 = arith.constant 0 : i32
        %dma_start3A_364 = arith.constant 0 : i32
        %dma_start3A_365 = tpu.memref_slice %arg3[%dma_start3A_363, %dma_start3A_364] : memref<10000x128xf32, #tpu.memory_space<hbm>> -> memref<10000x128xf32, #tpu.memory_space<hbm>>
        tpu.enqueue_indirect_dma source(%dma_start3A_365 : memref<10000x128xf32, #tpu.memory_space<hbm>>) target(%arg12 : memref<80x128xf32, #tpu.memory_space<vmem>>) offsets(%dma_start3A_362 : memref<80xi32, #tpu.memory_space<vmem>>) semaphore(%arg18 : memref<!tpu.dma_semaphore, #tpu.memory_space<semaphore_mem>>)
        %dma_wait3A_366 = arith.constant 1 : i32
        %dma_wait3A_367 = arith.constant 0 : i32
        %dma_wait3A_368 = tpu.memref_slice %arg9[%dma_wait3A_366, %dma_wait3A_367] : memref<2x80xi32, #tpu.memory_space<vmem>> -> memref<1x80xi32, #tpu.memory_space<vmem>>
        %dma_wait3A_369 = tpu.memref_squeeze %dma_wait3A_368 : memref<1x80xi32, #tpu.memory_space<vmem>> -> memref<80xi32, #tpu.memory_space<vmem>>
        %dma_wait3A_370 = arith.constant 0 : i32
        %dma_wait3A_371 = arith.constant 0 : i32
        %dma_wait3A_372 = tpu.memref_slice %arg15[%dma_wait3A_370, %dma_wait3A_371] : memref<10000x128xf32, #tpu.memory_space<vmem_shared>> -> memref<10000x128xf32, #tpu.memory_space<vmem_shared>>
        tpu.wait_indirect_dma semaphore(%arg22 : memref<!tpu.dma_semaphore, #tpu.memory_space<semaphore_mem>>) src(%arg11 : memref<80x128xf32, #tpu.memory_space<vmem>>) dst(%dma_wait3A_372 : memref<10000x128xf32, #tpu.memory_space<vmem_shared>>)
        %mul3A_373 = arith.constant 80 : i32
        %mul3A_374 = arith.muli %add3A_337, %mul3A_373 : i32
        %add3A_375 = arith.addi %mul3A_2, %mul3A_374 : i32
        %dma_start3A_376 = arith.constant 0 : i32
        %dma_start3A_377 = tpu.memref_slice %arg2[%add3A_375, %dma_start3A_376] : memref<320000x128xf32, #tpu.memory_space<hbm>> -> memref<80x128xf32, #tpu.memory_space<hbm>>
        %dma_start3A_378 = arith.constant 0 : i32
        %dma_start3A_379 = tpu.memref_slice %arg2[%add3A_375, %dma_start3A_378] : memref<320000x128xf32, #tpu.memory_space<hbm>> -> memref<80x128xf32, #tpu.memory_space<hbm>>
        tpu.enqueue_dma source(%dma_start3A_379 : memref<80x128xf32, #tpu.memory_space<hbm>>) target(%arg11 : memref<80x128xf32, #tpu.memory_space<vmem>>) target_semaphore(%arg19 : memref<!tpu.dma_semaphore, #tpu.memory_space<semaphore_mem>>)
      } else {
      }
      %add3A_343 = arith.constant 4 : i32
      %add3A_344 = arith.addi %add3A_309, %add3A_343 : i32
      %lt3A_345 = arith.constant 125 : i32
      %lt3A_346 = arith.cmpi slt, %add3A_344, %lt3A_345 : i32
      %convert_element_type3A_347 = arith.extui %lt3A_346 : i1 to i32
      %cond3A_348 = arith.constant 0 : i32
      %cond3A_349 = arith.cmpi ne, %convert_element_type3A_347, %cond3A_348 : i32
      scf.if %cond3A_349 {
        %add3A_350 = arith.addi %mul3A_4, %add3A_344 : i32
        %dma_start3A_351 = arith.constant 0 : i32
        %dma_start3A_352 = arith.constant 0 : i32
        %dma_start3A_353 = tpu.memref_slice %arg4[%add3A_350, %dma_start3A_351, %dma_start3A_352] : memref<4000x2x80xi32, #tpu.memory_space<hbm>> -> memref<1x2x80xi32, #tpu.memory_space<hbm>>
        %dma_start3A_354 = tpu.memref_squeeze %dma_start3A_353 : memref<1x2x80xi32, #tpu.memory_space<hbm>> -> memref<2x80xi32, #tpu.memory_space<hbm>>
        %dma_start3A_355 = arith.constant 0 : i32
        %dma_start3A_356 = arith.constant 0 : i32
        %dma_start3A_357 = tpu.memref_slice %arg4[%add3A_350, %dma_start3A_355, %dma_start3A_356] : memref<4000x2x80xi32, #tpu.memory_space<hbm>> -> memref<1x2x80xi32, #tpu.memory_space<hbm>>
        %dma_start3A_358 = tpu.memref_squeeze %dma_start3A_357 : memref<1x2x80xi32, #tpu.memory_space<hbm>> -> memref<2x80xi32, #tpu.memory_space<hbm>>
        tpu.enqueue_dma source(%dma_start3A_358 : memref<2x80xi32, #tpu.memory_space<hbm>>) target(%arg7 : memref<2x80xi32, #tpu.memory_space<vmem>>) target_semaphore(%arg16 : memref<!tpu.dma_semaphore, #tpu.memory_space<semaphore_mem>>)
      } else {
      }
    }
    %scan3A_160 = arith.constant 31 : i32
    %dma_wait3A_161 = arith.constant 1 : i32
    %dma_wait3A_162 = arith.constant 0 : i32
    %dma_wait3A_163 = tpu.memref_slice %arg7[%dma_wait3A_161, %dma_wait3A_162] : memref<2x80xi32, #tpu.memory_space<vmem>> -> memref<1x80xi32, #tpu.memory_space<vmem>>
    %dma_wait3A_164 = tpu.memref_squeeze %dma_wait3A_163 : memref<1x80xi32, #tpu.memory_space<vmem>> -> memref<80xi32, #tpu.memory_space<vmem>>
    %dma_wait3A_165 = arith.constant 0 : i32
    %dma_wait3A_166 = arith.constant 0 : i32
    %dma_wait3A_167 = tpu.memref_slice %arg15[%dma_wait3A_165, %dma_wait3A_166] : memref<10000x128xf32, #tpu.memory_space<vmem_shared>> -> memref<10000x128xf32, #tpu.memory_space<vmem_shared>>
    tpu.wait_indirect_dma semaphore(%arg23 : memref<!tpu.dma_semaphore, #tpu.memory_space<semaphore_mem>>) src(%arg13 : memref<80x128xf32, #tpu.memory_space<vmem>>) dst(%dma_wait3A_167 : memref<10000x128xf32, #tpu.memory_space<vmem_shared>>)
    %dma_wait3A_168 = arith.constant 1 : i32
    %dma_wait3A_169 = arith.constant 0 : i32
    %dma_wait3A_170 = tpu.memref_slice %arg7[%dma_wait3A_168, %dma_wait3A_169] : memref<2x80xi32, #tpu.memory_space<vmem>> -> memref<1x80xi32, #tpu.memory_space<vmem>>
    %dma_wait3A_171 = tpu.memref_squeeze %dma_wait3A_170 : memref<1x80xi32, #tpu.memory_space<vmem>> -> memref<80xi32, #tpu.memory_space<vmem>>
    %dma_wait3A_172 = arith.constant 0 : i32
    %dma_wait3A_173 = arith.constant 0 : i32
    %dma_wait3A_174 = tpu.memref_slice %arg15[%dma_wait3A_172, %dma_wait3A_173] : memref<10000x128xf32, #tpu.memory_space<vmem_shared>> -> memref<10000x128xf32, #tpu.memory_space<vmem_shared>>
    tpu.wait_indirect_dma semaphore(%arg22 : memref<!tpu.dma_semaphore, #tpu.memory_space<semaphore_mem>>) src(%arg11 : memref<80x128xf32, #tpu.memory_space<vmem>>) dst(%dma_wait3A_174 : memref<10000x128xf32, #tpu.memory_space<vmem_shared>>)
    %barrier3A_175 = arith.constant 0 : index
    tpu.barrier barrier_id(%barrier3A_175)
    "tpu.region"() ({
      %run_scoped3A = tpu.sem_alloc : memref<!tpu.dma_semaphore, #tpu.memory_space<semaphore_mem>>
      %dma_start3A_176 = arith.constant 0 : i32
      %dma_start3A_177 = tpu.memref_slice %arg6[%arg0, %min3A_7, %dma_start3A_176] : memref<2x10000x128xf32, #tpu.memory_space<hbm>> -> memref<1x632x128xf32, #tpu.memory_space<hbm>>
      %dma_start3A_178 = tpu.memref_squeeze %dma_start3A_177 : memref<1x632x128xf32, #tpu.memory_space<hbm>> -> memref<632x128xf32, #tpu.memory_space<hbm>>
      %dma_start3A_179 = arith.constant 0 : i32
      %dma_start3A_180 = tpu.memref_slice %arg15[%min3A_7, %dma_start3A_179] : memref<10000x128xf32, #tpu.memory_space<vmem_shared>> -> memref<632x128xf32, #tpu.memory_space<vmem_shared>>
      tpu.enqueue_dma source(%dma_start3A_180 : memref<632x128xf32, #tpu.memory_space<vmem_shared>>) target(%dma_start3A_178 : memref<632x128xf32, #tpu.memory_space<hbm>>) target_semaphore(%run_scoped3A : memref<!tpu.dma_semaphore, #tpu.memory_space<semaphore_mem>>)
      %dma_wait3A_181 = arith.constant 0 : i32
      %dma_wait3A_182 = tpu.memref_slice %arg6[%arg0, %min3A_7, %dma_wait3A_181] : memref<2x10000x128xf32, #tpu.memory_space<hbm>> -> memref<1x632x128xf32, #tpu.memory_space<hbm>>
      %dma_wait3A_183 = tpu.memref_squeeze %dma_wait3A_182 : memref<1x632x128xf32, #tpu.memory_space<hbm>> -> memref<632x128xf32, #tpu.memory_space<hbm>>
      %dma_wait3A_184 = arith.constant 0 : i32
      %dma_wait3A_185 = tpu.memref_slice %arg15[%min3A_7, %dma_wait3A_184] : memref<10000x128xf32, #tpu.memory_space<vmem_shared>> -> memref<632x128xf32, #tpu.memory_space<vmem_shared>>
      tpu.wait_dma2 semaphore(%run_scoped3A : memref<!tpu.dma_semaphore, #tpu.memory_space<semaphore_mem>>) src(%dma_wait3A_185 : memref<632x128xf32, #tpu.memory_space<vmem_shared>>) dst(%dma_wait3A_183 : memref<632x128xf32, #tpu.memory_space<hbm>>)
      tpu.yield
    }) : () -> ()
    return
  }
}

module attributes {stable_mosaic.version = 14 : i64} {
  func.func @_node_pre_body(%arg0: i32, %arg1: memref<2000x128xf32, #tpu.memory_space<vmem>>, %arg2: memref<2000x1xf32, #tpu.memory_space<vmem>>, %arg3: memref<128x128xf32, #tpu.memory_space<vmem>>, %arg4: memref<128x128xf32, #tpu.memory_space<vmem>>, %arg5: memref<2000x128xf32, #tpu.memory_space<vmem>>, %arg6: memref<2000x128xf32, #tpu.memory_space<vmem>>) attributes {dimension_semantics = [#tpu.dimension_semantics<arbitrary>], iteration_bounds = array<i64: 5>, scalar_prefetch = 0 : i64, scratch_operands = 0 : i64, tpu.core_type = #tpu.core_type<tc>, window_params = [{transform_indices = @transform_0, window_bounds = array<i64: 2000, 128>}, {transform_indices = @transform_1, window_bounds = array<i64: 2000, 1>}, {pipeline_mode = #tpu.pipeline_mode<synchronous>, transform_indices = @transform_2, window_bounds = array<i64: 128, 128>}, {pipeline_mode = #tpu.pipeline_mode<synchronous>, transform_indices = @transform_3, window_bounds = array<i64: 128, 128>}, {transform_indices = @transform_4, window_bounds = array<i64: 2000, 128>}, {transform_indices = @transform_5, window_bounds = array<i64: 2000, 128>}]} {
    %get3A = arith.constant 0 : index
    %get3A_0 = arith.constant 0 : index
    %get3A_1 = vector.load %arg1[%get3A, %get3A_0] : memref<2000x128xf32, #tpu.memory_space<vmem>>, vector<2000x128xf32>
    %get3A_2 = arith.constant 0 : index
    %get3A_3 = arith.constant 0 : index
    %get3A_4 = vector.load %arg2[%get3A_2, %get3A_3] : memref<2000x1xf32, #tpu.memory_space<vmem>>, vector<2000x1xf32>
    %mul3A = vector.broadcast %get3A_4 : vector<2000x1xf32> to vector<2000x128xf32>
    %mul3A_5 = arith.mulf %get3A_1, %mul3A : vector<2000x128xf32>
    %get3A_6 = arith.constant 0 : index
    %get3A_7 = arith.constant 0 : index
    %get3A_8 = vector.load %arg4[%get3A_6, %get3A_7] : memref<128x128xf32, #tpu.memory_space<vmem>>, vector<128x128xf32>
    %dot_general3A = arith.constant dense<0.000000e+00> : vector<2000x128xf32>
    %dot_general3A_9 = tpu.matmul %mul3A_5, %get3A_8, %dot_general3A {dimension_numbers = #tpu.dot_dimension_numbers<[1], [0], [0], [1], [0, 0, 1, 1], [], []>, transpose_lhs_hint = false} : vector<2000x128xf32>, vector<128x128xf32>, vector<2000x128xf32> -> vector<2000x128xf32>
    %mul3A_10 = arith.constant 0.0883883461 : f32
    %mul3A_11 = vector.broadcast %mul3A_10 : f32 to vector<2000x128xf32>
    %mul3A_12 = arith.mulf %dot_general3A_9, %mul3A_11 : vector<2000x128xf32>
    %swap3A = arith.constant 0 : index
    %swap3A_13 = arith.constant 0 : index
    %swap3A_14 = vector.load %arg5[%swap3A, %swap3A_13] : memref<2000x128xf32, #tpu.memory_space<vmem>>, vector<2000x128xf32>
    tpu.vector_store %arg5[%swap3A, %swap3A_13], %mul3A_12 {strides = array<i32>} : memref<2000x128xf32, #tpu.memory_space<vmem>>, vector<2000x128xf32>,
    %get3A_15 = arith.constant 0 : index
    %get3A_16 = arith.constant 0 : index
    %get3A_17 = vector.load %arg3[%get3A_15, %get3A_16] : memref<128x128xf32, #tpu.memory_space<vmem>>, vector<128x128xf32>
    %dot_general3A_18 = arith.constant dense<0.000000e+00> : vector<2000x128xf32>
    %dot_general3A_19 = tpu.matmul %mul3A_5, %get3A_17, %dot_general3A_18 {dimension_numbers = #tpu.dot_dimension_numbers<[1], [0], [0], [1], [0, 0, 1, 1], [], []>, transpose_lhs_hint = false} : vector<2000x128xf32>, vector<128x128xf32>, vector<2000x128xf32> -> vector<2000x128xf32>
    %mul3A_20 = arith.constant 0.0883883461 : f32
    %mul3A_21 = vector.broadcast %mul3A_20 : f32 to vector<2000x128xf32>
    %mul3A_22 = arith.mulf %dot_general3A_19, %mul3A_21 : vector<2000x128xf32>
    %swap3A_23 = arith.constant 0 : index
    %swap3A_24 = arith.constant 0 : index
    %swap3A_25 = vector.load %arg6[%swap3A_23, %swap3A_24] : memref<2000x128xf32, #tpu.memory_space<vmem>>, vector<2000x128xf32>
    tpu.vector_store %arg6[%swap3A_23, %swap3A_24], %mul3A_22 {strides = array<i32>} : memref<2000x128xf32, #tpu.memory_space<vmem>>, vector<2000x128xf32>,
    return
  }
  func.func @transform_0(%arg0: i32) -> (i32, i32) {
    %c0_i32 = arith.constant 0 : i32
    %c0_i32_0 = arith.constant 0 : i32
    return %arg0, %c0_i32 : i32, i32
  }
  func.func @transform_1(%arg0: i32) -> (i32, i32) {
    %c0_i32 = arith.constant 0 : i32
    %c0_i32_0 = arith.constant 0 : i32
    return %arg0, %c0_i32 : i32, i32
  }
  func.func @transform_2(%arg0: i32) -> (i32, i32) {
    %c0_i32 = arith.constant 0 : i32
    %c0_i32_0 = arith.constant 0 : i32
    %c0_i32_1 = arith.constant 0 : i32
    return %c0_i32, %c0_i32_0 : i32, i32
  }
  func.func @transform_3(%arg0: i32) -> (i32, i32) {
    %c0_i32 = arith.constant 0 : i32
    %c0_i32_0 = arith.constant 0 : i32
    %c0_i32_1 = arith.constant 0 : i32
    return %c0_i32, %c0_i32_0 : i32, i32
  }
  func.func @transform_4(%arg0: i32) -> (i32, i32) {
    %c0_i32 = arith.constant 0 : i32
    %c0_i32_0 = arith.constant 0 : i32
    return %arg0, %c0_i32 : i32, i32
  }
  func.func @transform_5(%arg0: i32) -> (i32, i32) {
    %c0_i32 = arith.constant 0 : i32
    %c0_i32_0 = arith.constant 0 : i32
    return %arg0, %c0_i32 : i32, i32
  }
}

module attributes {stable_mosaic.version = 14 : i64} {
  func.func @_edge_pre_body(%arg0: i32, %arg1: memref<8x12800xf32, #tpu.memory_space<vmem>>, %arg2: memref<1x12800xf32, #tpu.memory_space<vmem>>, %arg3: memref<8x64xf32, #tpu.memory_space<vmem>>, %arg4: memref<64x128xf32, #tpu.memory_space<vmem>>, %arg5: memref<12800x128xf32, #tpu.memory_space<vmem>>) attributes {dimension_semantics = [#tpu.dimension_semantics<arbitrary>], iteration_bounds = array<i64: 25>, scalar_prefetch = 0 : i64, scratch_operands = 0 : i64, tpu.core_type = #tpu.core_type<tc>, window_params = [{transform_indices = @transform_0, window_bounds = array<i64: 8, 12800>}, {transform_indices = @transform_1, window_bounds = array<i64: 1, 12800>}, {pipeline_mode = #tpu.pipeline_mode<synchronous>, transform_indices = @transform_2, window_bounds = array<i64: 8, 64>}, {pipeline_mode = #tpu.pipeline_mode<synchronous>, transform_indices = @transform_3, window_bounds = array<i64: 64, 128>}, {transform_indices = @transform_4, window_bounds = array<i64: 12800, 128>}]} {
    %get3A = arith.constant 0 : index
    %get3A_0 = arith.constant 0 : index
    %get3A_1 = vector.load %arg1[%get3A, %get3A_0] : memref<8x12800xf32, #tpu.memory_space<vmem>>, vector<8x12800xf32>
    %get3A_2 = arith.constant 0 : index
    %get3A_3 = arith.constant 0 : index
    %get3A_4 = vector.load %arg3[%get3A_2, %get3A_3] : memref<8x64xf32, #tpu.memory_space<vmem>>, vector<8x64xf32>
    %dot_general3A = arith.constant dense<0.000000e+00> : vector<12800x64xf32>
    %dot_general3A_5 = tpu.matmul %get3A_1, %get3A_4, %dot_general3A {dimension_numbers = #tpu.dot_dimension_numbers<[0], [0], [1], [1], [0, 1, 1, 1], [], []>, transpose_lhs_hint = false} : vector<8x12800xf32>, vector<8x64xf32>, vector<12800x64xf32> -> vector<12800x64xf32>
    %mul3A = arith.constant 0.353553385 : f32
    %mul3A_6 = vector.broadcast %mul3A : f32 to vector<12800x64xf32>
    %mul3A_7 = arith.mulf %dot_general3A_5, %mul3A_6 : vector<12800x64xf32>
    %max3A = arith.constant 0.000000e+00 : f32
    %max3A_8 = vector.broadcast %max3A : f32 to vector<12800x64xf32>
    %max3A_9 = arith.maximumf %mul3A_7, %max3A_8 : vector<12800x64xf32>
    %get3A_10 = arith.constant 0 : index
    %get3A_11 = arith.constant 0 : index
    %get3A_12 = vector.load %arg4[%get3A_10, %get3A_11] : memref<64x128xf32, #tpu.memory_space<vmem>>, vector<64x128xf32>
    %dot_general3A_13 = arith.constant dense<0.000000e+00> : vector<12800x128xf32>
    %dot_general3A_14 = tpu.matmul %max3A_9, %get3A_12, %dot_general3A_13 {dimension_numbers = #tpu.dot_dimension_numbers<[1], [0], [0], [1], [0, 0, 1, 1], [], []>, transpose_lhs_hint = false} : vector<12800x64xf32>, vector<64x128xf32>, vector<12800x128xf32> -> vector<12800x128xf32>
    %mul3A_15 = arith.constant 1.250000e-01 : f32
    %mul3A_16 = vector.broadcast %mul3A_15 : f32 to vector<12800x128xf32>
    %mul3A_17 = arith.mulf %dot_general3A_14, %mul3A_16 : vector<12800x128xf32>
    %get3A_18 = arith.constant 0 : index
    %get3A_19 = arith.constant 0 : index
    %get3A_20 = vector.load %arg2[%get3A_18, %get3A_19] : memref<1x12800xf32, #tpu.memory_space<vmem>>, vector<1x12800xf32>
    %broadcast_in_dim3A = arith.constant 1.000000e+00 : f32
    %broadcast_in_dim3A_21 = vector.broadcast %broadcast_in_dim3A : f32 to vector<1x128xf32>
    %dot_general3A_22 = arith.constant dense<0.000000e+00> : vector<12800x128xf32>
    %dot_general3A_23 = tpu.matmul %get3A_20, %broadcast_in_dim3A_21, %dot_general3A_22 {dimension_numbers = #tpu.dot_dimension_numbers<[0], [0], [1], [1], [0, 1, 1, 1], [], []>, transpose_lhs_hint = false} : vector<1x12800xf32>, vector<1x128xf32>, vector<12800x128xf32> -> vector<12800x128xf32>
    %mul3A_24 = arith.mulf %mul3A_17, %dot_general3A_23 : vector<12800x128xf32>
    %swap3A = arith.constant 0 : index
    %swap3A_25 = arith.constant 0 : index
    %swap3A_26 = vector.load %arg5[%swap3A, %swap3A_25] : memref<12800x128xf32, #tpu.memory_space<vmem>>, vector<12800x128xf32>
    tpu.vector_store %arg5[%swap3A, %swap3A_25], %mul3A_24 {strides = array<i32>} : memref<12800x128xf32, #tpu.memory_space<vmem>>, vector<12800x128xf32>,
    return
  }
  func.func @transform_0(%arg0: i32) -> (i32, i32) {
    %c0_i32 = arith.constant 0 : i32
    %c0_i32_0 = arith.constant 0 : i32
    return %c0_i32, %arg0 : i32, i32
  }
  func.func @transform_1(%arg0: i32) -> (i32, i32) {
    %c0_i32 = arith.constant 0 : i32
    %c0_i32_0 = arith.constant 0 : i32
    return %c0_i32, %arg0 : i32, i32
  }
  func.func @transform_2(%arg0: i32) -> (i32, i32) {
    %c0_i32 = arith.constant 0 : i32
    %c0_i32_0 = arith.constant 0 : i32
    %c0_i32_1 = arith.constant 0 : i32
    return %c0_i32, %c0_i32_0 : i32, i32
  }
  func.func @transform_3(%arg0: i32) -> (i32, i32) {
    %c0_i32 = arith.constant 0 : i32
    %c0_i32_0 = arith.constant 0 : i32
    %c0_i32_1 = arith.constant 0 : i32
    return %c0_i32, %c0_i32_0 : i32, i32
  }
  func.func @transform_4(%arg0: i32) -> (i32, i32) {
    %c0_i32 = arith.constant 0 : i32
    %c0_i32_0 = arith.constant 0 : i32
    return %arg0, %c0_i32 : i32, i32
  }
}

module attributes {stable_mosaic.version = 14 : i64} {
  func.func @_post_body(%arg0: i32, %arg1: memref<2x2000x128xf32, #tpu.memory_space<vmem>>, %arg2: memref<2000x128xf32, #tpu.memory_space<vmem>>, %arg3: memref<128x128xf32, #tpu.memory_space<vmem>>, %arg4: memref<2000x128xf32, #tpu.memory_space<vmem>>) attributes {dimension_semantics = [#tpu.dimension_semantics<arbitrary>], iteration_bounds = array<i64: 5>, scalar_prefetch = 0 : i64, scratch_operands = 0 : i64, tpu.core_type = #tpu.core_type<tc>, window_params = [{transform_indices = @transform_0, window_bounds = array<i64: 2, 2000, 128>}, {transform_indices = @transform_1, window_bounds = array<i64: 2000, 128>}, {pipeline_mode = #tpu.pipeline_mode<synchronous>, transform_indices = @transform_2, window_bounds = array<i64: 128, 128>}, {transform_indices = @transform_3, window_bounds = array<i64: 2000, 128>}]} {
    %get3A = arith.constant 0 : index
    %get3A_0 = arith.constant 0 : index
    %get3A_1 = arith.constant 0 : index
    %get3A_2 = vector.load %arg1[%get3A, %get3A_0, %get3A_1] : memref<2x2000x128xf32, #tpu.memory_space<vmem>>, vector<1x2000x128xf32>
    %get3A_3 = vector.shape_cast %get3A_2 : vector<1x2000x128xf32> to vector<2000x128xf32>
    %get3A_4 = arith.constant 1 : index
    %get3A_5 = arith.constant 0 : index
    %get3A_6 = arith.constant 0 : index
    %get3A_7 = vector.load %arg1[%get3A_4, %get3A_5, %get3A_6] : memref<2x2000x128xf32, #tpu.memory_space<vmem>>, vector<1x2000x128xf32>
    %get3A_8 = vector.shape_cast %get3A_7 : vector<1x2000x128xf32> to vector<2000x128xf32>
    %add3A = arith.addf %get3A_3, %get3A_8 : vector<2000x128xf32>
    %get3A_9 = arith.constant 0 : index
    %get3A_10 = arith.constant 0 : index
    %get3A_11 = vector.load %arg2[%get3A_9, %get3A_10] : memref<2000x128xf32, #tpu.memory_space<vmem>>, vector<2000x128xf32>
    %get3A_12 = arith.constant 0 : index
    %get3A_13 = arith.constant 0 : index
    %get3A_14 = vector.load %arg3[%get3A_12, %get3A_13] : memref<128x128xf32, #tpu.memory_space<vmem>>, vector<128x128xf32>
    %dot_general3A = arith.constant dense<0.000000e+00> : vector<2000x128xf32>
    %dot_general3A_15 = tpu.matmul %add3A, %get3A_14, %dot_general3A {dimension_numbers = #tpu.dot_dimension_numbers<[1], [0], [0], [1], [0, 0, 1, 1], [], []>, transpose_lhs_hint = false} : vector<2000x128xf32>, vector<128x128xf32>, vector<2000x128xf32> -> vector<2000x128xf32>
    %mul3A = arith.constant 0.0110485433 : f32
    %mul3A_16 = vector.broadcast %mul3A : f32 to vector<2000x128xf32>
    %mul3A_17 = arith.mulf %mul3A_16, %dot_general3A_15 : vector<2000x128xf32>
    %add3A_18 = arith.addf %get3A_11, %mul3A_17 : vector<2000x128xf32>
    %swap3A = arith.constant 0 : index
    %swap3A_19 = arith.constant 0 : index
    %swap3A_20 = vector.load %arg4[%swap3A, %swap3A_19] : memref<2000x128xf32, #tpu.memory_space<vmem>>, vector<2000x128xf32>
    tpu.vector_store %arg4[%swap3A, %swap3A_19], %add3A_18 {strides = array<i32>} : memref<2000x128xf32, #tpu.memory_space<vmem>>, vector<2000x128xf32>,
    return
  }
  func.func @transform_0(%arg0: i32) -> (i32, i32, i32) {
    %c0_i32 = arith.constant 0 : i32
    %c0_i32_0 = arith.constant 0 : i32
    %c0_i32_1 = arith.constant 0 : i32
    return %c0_i32, %arg0, %c0_i32_0 : i32, i32, i32
  }
  func.func @transform_1(%arg0: i32) -> (i32, i32) {
    %c0_i32 = arith.constant 0 : i32
    %c0_i32_0 = arith.constant 0 : i32
    return %arg0, %c0_i32 : i32, i32
  }
  func.func @transform_2(%arg0: i32) -> (i32, i32) {
    %c0_i32 = arith.constant 0 : i32
    %c0_i32_0 = arith.constant 0 : i32
    %c0_i32_1 = arith.constant 0 : i32
    return %c0_i32, %c0_i32_0 : i32, i32
  }
  func.func @transform_3(%arg0: i32) -> (i32, i32) {
    %c0_i32 = arith.constant 0 : i32
    %c0_i32_0 = arith.constant 0 : i32
    return %arg0, %c0_i32 : i32, i32
  }
}

</mosaic_0001>

<sc_bundles>
// kernel: kernel.6.cloned.1.call-start
scs
__scs_entry_jumppad:
0x0: {  	(pc) =	sbr.rel $0x88, $3  }
0x1: {  	(tag) =	ssettag $0x0;
	lr =	simm.s32 $0x1  }
0x2: {  	[smem:$0x3F96] =	sst lr;
	_ =	strace $0xD0000000  }
0x3: {  	_ = 	snop  }
0x4: {  	_ = 	snop  }
0x5: {  	_ = 	snop  }
0x6: {  	_ = 	snop  }
0x7: {  	_ = 	snop  }
__scs_overlays_trampoline_lowered:
0x8: {  	[smem:$0x3FA5] =	sst s0  }
0x9: {  	[smem:$0x3FA6] =	sst s1  }
0xa: {  	[smem:$0x3FA7] =	sst s2  }
0xb: {  	[smem:$0x3FA8] =	sst s3  }
0xc: {  	[smem:$0x3FA9] =	sst s4  }
0xd: {  	[smem:$0x3FAA] =	sst s5  }
0xe: {  	[smem:$0x3FAB] =	sst s6  }
0xf: {  	[smem:$0x3FAC] =	sst s7  }
0x10: {  	[smem:$0x3FAD] =	sst s8  }
0x11: {  	[smem:$0x3FAE] =	sst s9;
	s0 =	simm.s32 @!p0 $0x0  }
0x12: {  	s1 =	sld [smem:$0x3F94];
	s0 =	simm.s32 @p0 $0x1  }
0x13: {  	[smem:$0x3FAF] =	sst s0;
	s0 =	simm.s32 @!p1 $0x0  }
0x14: {  	s2 =	sld [smem:$0x3F93];
	s0 =	simm.s32 @p1 $0x1  }
0x15: {  	[smem:$0x3FB0] =	sst s0;
	s0 =	simm.s32 @!p2 $0x0  }
0x16: {  	s3 =	sld [smem:$0x3FDB];
	s0 =	simm.s32 @p2 $0x1  }
0x17: {  	s4 =	simm.s32 $0x1BF5;
	[smem:$0x3FB2] =	sst s0  }
0x18: {  	s0 =	sld [smem:$0x3F95];
	_ =	swait.ge [sflag:s4], $0x0  }
0x19: {  	s7 =	sld [smem:$0x3F96]  }
0x1a: {  	s8 =	sadd.s32 $0xFFFFE003, lr  }
0x1b: {  	s9 =	sadd.s32 $0xFFFFFEF7, lr;
	s5 =	simm.s32 $0xFFFFFFFF;
	p2 =	slt.u32 s8, $0xFFFFF086  }
0x1c: {  	p1 =	slt.u32 s9, $0xF7A;
	s5 =	simm.s32 @!p2 $0x0  }
0x1d: {  	s5 =	simm.s32 @p1 $0x1;
	p0 =	seq.s32 s7, s2  }
0x1e: {  	s7 =	smul.u32 @!p0 $0xF7A, s2;
	p2 =	seq.s32 @!p0 s5, $0x0  }
0x1f: {  	s9 =	smul.u32 $0xF7A, s1;
	s8 =	simm.s32 @!p0 $0x1BF5;
	p2 =	por !p2, p0  }
0x20: {  	[sflag:s8] =	ssyncset.s32 @!p0 $0xFFFFF086;
	s6 =	sadd.s32 @!p0 s3, s7;
	s7 =	simm.s32 @!p0 $0x108  }
0x21: {  	s3 =	sadd.s32 s3, s9;
	s6 =	sadd.s32 @!p0 $0x88, s6;
	s7 =	simm.s32 @p2 $0x1082  }
0x22: {  	[simem:s7], [sflag:s8] =	dma.local @!p0 [hbm:s6], $0xF7A  }
0x23: {  	s9 =	sor.u32 $0xD0000000, s2;
	s6 =	simm.s32 $0x108;
	_ =	swait.ge @!p0 [sflag:s8], $0x0  }
0x24: {  	s3 =	sadd.s32 $0x88, s3;
	s6 =	simm.s32 @!p1 $0x1082;
	[sflag:s4] =	ssyncset.s32 $0xFFFFF086  }
0x25: {  	[simem:s6], [sflag:s4] =	dma.local [hbm:s3], $0xF7A  }
0x26: {  	[smem:$0x3F96] =	sst s1;
	(tag) =	ssettag s2;
	_ =	strace s9  }
0x27: {  	s1 =	sld [smem:$0x3FA6]  }
0x28: {  	s2 =	sld [smem:$0x3FA7]  }
0x29: {  	s4 =	sld [smem:$0x3FA9]  }
0x2a: {  	p0 =	seq.s32 s5, $0x0;
	s5 =	sld [smem:$0x3FAA]  }
0x2b: {  	s6 =	sld [smem:$0x3FAB]  }
0x2c: {  	s7 =	sld [smem:$0x3FAC]  }
0x2d: {  	s3 =	simm.s32 $0x108;
	s8 =	sld [smem:$0x3FAD]  }
0x2e: {  	s3 =	simm.s32 @!p0 $0x1082;
	s9 =	sld [smem:$0x3FAE]  }
0x2f: {  	lr =	sadd.s32 s0, s3;
	s0 =	sld [smem:$0x3FA5]  }
0x30: {  	s3 =	sld [smem:$0x3FA8]  }
0x31: {  	[smem:$0x3FB1] =	sst s10  }
0x32: {  	s10 =	sld [smem:$0x3FAF];
	_ =	sdelay $0x3  }
0x33: {  	p0 =	seq.s32 s10, $0x1;
	s10 =	sld [smem:$0x3FB1];
	_ =	sdelay $0x3  }
0x34: {  	[smem:$0x3FB1] =	sst s10  }
0x35: {  	s10 =	sld [smem:$0x3FB0];
	_ =	sdelay $0x3  }
0x36: {  	p1 =	seq.s32 s10, $0x1;
	s10 =	sld [smem:$0x3FB1];
	_ =	sdelay $0x3  }
0x37: {  	[smem:$0x3FB1] =	sst s10  }
0x38: {  	s10 =	sld [smem:$0x3FB2]  }
0x39: {  	_ = 	snop;
	(pc) =	sbr.ind lr, $3  }
0x3a: {  	_ = 	snop  }
0x3b: {  	_ = 	snop  }
0x3c: {  	p2 =	seq.s32 s10, $0x1;
	s10 =	sld [smem:$0x3FB1]  }
0x3d: {  	_ =	shalt  }
0x3e: {  	_ =	shalt  }
0x3f: {  	_ =	shalt  }
0x40: {  	_ =	shalt  }
0x41: {  	_ =	shalt  }
0x42: {  	_ =	shalt  }
0x43: {  	_ =	shalt  }
0x44: {  	_ =	shalt  }
0x45: {  	_ =	shalt  }
0x46: {  	_ =	shalt  }
0x47: {  	_ =	shalt  }
0x48: {  	_ =	shalt  }
0x49: {  	_ =	shalt  }
0x4a: {  	_ =	shalt  }
0x4b: {  	_ =	shalt  }
0x4c: {  	_ =	shalt  }
0x4d: {  	_ =	shalt  }
0x4e: {  	_ =	shalt  }
0x4f: {  	_ =	shalt  }
0x50: {  	_ =	shalt  }
0x51: {  	_ =	shalt  }
0x52: {  	_ =	shalt  }
0x53: {  	_ =	shalt  }
0x54: {  	_ =	shalt  }
0x55: {  	_ =	shalt  }
0x56: {  	_ =	shalt  }
0x57: {  	_ =	shalt  }
0x58: {  	_ =	shalt  }
0x59: {  	_ =	shalt  }
0x5a: {  	_ =	shalt  }
0x5b: {  	_ =	shalt  }
0x5c: {  	_ =	shalt  }
0x5d: {  	_ =	shalt  }
0x5e: {  	_ =	shalt  }
0x5f: {  	_ =	shalt  }
0x60: {  	_ =	shalt  }
0x61: {  	_ =	shalt  }
0x62: {  	_ =	shalt  }
0x63: {  	_ =	shalt  }
0x64: {  	_ =	shalt  }
0x65: {  	_ =	shalt  }
0x66: {  	_ =	shalt  }
0x67: {  	_ =	shalt  }
0x68: {  	_ =	shalt  }
0x69: {  	_ =	shalt  }
0x6a: {  	_ =	shalt  }
0x6b: {  	_ =	shalt  }
0x6c: {  	_ =	shalt  }
0x6d: {  	_ =	shalt  }
0x6e: {  	_ =	shalt  }
0x6f: {  	_ =	shalt  }
0x70: {  	_ =	shalt  }
0x71: {  	_ =	shalt  }
0x72: {  	_ =	shalt  }
0x73: {  	_ =	shalt  }
0x74: {  	_ =	shalt  }
0x75: {  	_ =	shalt  }
0x76: {  	_ =	shalt  }
0x77: {  	_ =	shalt  }
0x78: {  	_ =	shalt  }
0x79: {  	_ =	shalt  }
0x7a: {  	_ =	shalt  }
0x7b: {  	_ =	shalt  }
0x7c: {  	_ =	shalt  }
0x7d: {  	_ =	shalt  }
0x7e: {  	_ =	shalt  }
0x7f: {  	_ =	shalt  }
0x80: {  	_ =	shalt  }
0x81: {  	_ =	shalt  }
0x82: {  	_ =	shalt  }
0x83: {  	_ =	shalt  }
0x84: {  	_ =	shalt  }
0x85: {  	_ =	shalt  }
0x86: {  	_ =	shalt  }
0x87: {  	_ =	shalt  }
.Lfunc_end0:
.L_simem_size_0:
called_computation_lowered:
.L_overlay_start_0:
0x88: {  	s2 =	sld [smem:$0x3FD9]  }
0x89: {  	s3 =	sld [smem:$0x3FFE];
	_ =	sdelay $0x1  }
0x8a: {  	s1 =	srdreg.scid  }
0x8b: {  	s0 =	sand.u32 $0x1, s1  }
0x8c: {  	s17 =	sshll.u32 s0, $0xA;
	s2 =	sadd.s32 s3, s2  }
0x8d: {  	s2 =	sadd.s32 s2, s17  }
0x8e: {  	[smem:$0x3FBD] =	sst s2  }
0x8f: {  	_ = 	snop  }
0x90: {  	s2 =	sld [smem:$0x3FD0];
	(tm) =	ssettm $0x1  }
0x91: {  	s18 =	sld [smem:$0x3FFB];
	_ =	sdelay $0x3  }
0x92: {  	_ =	strace s18  }
0x93: {  	s3 =	sld [smem:$0x3FFC];
	_ =	sdelay $0x3  }
0x94: {  	_ =	strace s3  }
0x95: {  	s3 =	sld [smem:$0x3FFD];
	_ =	sdelay $0x3  }
0x96: {  	_ =	strace s3  }
0x97: {  	_ =	strace $0x8FFFFFFF  }
0x98: {  	s19 =	sld [smem:$0x3FDB];
	_ =	sdelay $0x1  }
0x99: {  	s4 =	simm.s32 $_scs_section_size  }
0x9a: {  	s5 =	simm.s32 $_size__tile_overlayer_lowered;
	s6 =	simm.s32 $_tile_overlayer_lowered  }
0x9b: {  	s22 =	simm.s32 $0x1BFF;
	s21 =	sshll.u32 s6, $0x1;
	s3 =	sadd.s32 s4, s19  }
0x9c: {  	s7 =	simm.s32 $0x0;
	s20 =	sshll.u32 s5, $0x1;
	s5 =	sadd.s32 s21, s3  }
0x9d: {  	[timem:s7], [sflag:s22] =	dma.local [hbm:s5], s20  }
0x9e: {  	_ =	swait.ge [sflag:s22], s20  }
0x9f: {  	s4 =	ssub.s32 $0x0, s20;
	[sflag:s22] =	ssyncset.done $0x0  }
0xa0: {  	[sflag:s22] =	ssyncadd.s32 s4;
	_ =	sdelay $0x1  }
0xa1: {  	s23 =	simm.s32 $0x1B8B  }
0xa2: {  	_ =	swait.ge [sflag:s23], $0x1  }
0xa3: {  	[sflag:s23] =	ssyncset.done $0x0  }
0xa4: {  	s25 =	simm.s32 $0x1B8E;
	s24 =	sld [smem:$0x3FFE];
	[sflag:s23] =	ssyncadd.s32 $0xFFFFFFFF  }
0xa5: {  	s26 =	simm.s32 $execute0_lowered;
	[smem:$0x3FD2] =	sst s25  }
0xa6: {  	s5 =	sshll.u32 s26, $0x1;
	_ =	strace $0x80000046;
	[dreg:$0x1] =	wrdreg $0xFFFFFFFF  }
0xa7: {  	s28 =	simm.s32 $_size_execute0_lowered;
	s3 =	sadd.s32 s3, s5;
	[dreg:$0x0] =	wrdreg $0x0  }
0xa8: {  	s5 =	sshll.u32 s28, $0x1;
	[dreg:$0x2] =	wrdreg s3  }
0xa9: {  	[dreg:$0x3] =	wrdreg s5  }
0xaa: {  	[dreg:$0x4] =	wrdreg $0xC0  }
0xab: {  	_ =	task [dreg:s7], $0x5FFFF  }
0xac: {  	[dreg:$0x1] =	wrdreg $0xFFFFFFFF  }
0xad: {  	[dreg:$0x0] =	wrdreg $0x60  }
0xae: {  	[dreg:$0x2] =	wrdreg s24  }
0xaf: {  	[dreg:$0x3] =	wrdreg s2  }
0xb0: {  	[dreg:$0x4] =	wrdreg $0xA4000  }
0xb1: {  	[dreg:$0x5] =	wrdreg $0x9  }
0xb2: {  	_ =	task.clear_ibuf [dreg:s7], $0x6FFFF;
	_ =	strace $0x90000046  }
0xb3: {  	s29 =	simm.s32 $0x9;
	_ =	strace $0x80000048  }
0xb4: {  	_ =	swait.ge [sflag:s29], $0x1  }
0xb5: {  	[sflag:s29] =	ssyncadd.s32 $0xFFFFFFFF  }
0xb6: {  	_ =	strace $0x90000048  }
0xb7: {  	_ =	sfence  }
0xb8: {  	s30 =	sld [smem:$0x0];
	_ =	sdelay $0x2  }
0xb9: {  	s31 =	sshll.u32 s1, $0xD;
	s1 =	sshrl.u32 s1, $0x2  }
0xba: {  	s3 =	sand.u32 $0x4000, s31;
	s1 =	sadd.s32 s1, s30  }
0xbb: {  	s0 =	sor.u32 s3, s0;
	s1 =	sshll.u32 s1, $0x11  }
0xbc: {  	s0 =	sor.u32 s1, s0  }
0xbd: {  	s0 =	sadd.s32 $0x8F2B, s0  }
0xbe: {  	[sflag:s0] =	ssyncadd.remote.s32 $0x1  }
0xbf: {  	_ =	sfence.sel $0xFFFF  }
0xc0: {  	[dreg:$0x0] =	wrdreg $0xFFFFFFFF;
	(pc) =	sbr.abs _section_cstart, $3  }
0xc1: {  	[dreg:$0x1] =	wrdreg $0xFFFFFFFF  }
0xc2: {  	_ =	task.clear_ibuf [dreg:s7], $0x2FFFF;
	_ =	strace $0x9FFFFFFF  }
0xc3: {  	(tm) =	ssettm $0x7FFFFFFF  }
tec
execute0_lowered:
.L_overlay_start_1:
0x0: {  	(tag) =	ssettag $0x1  }
0x1: {  	s0 =	rddreg [dreg:$0x0]  }
0x2: {  	s1 =	rddreg [dreg:$0x1]  }
0x3: {  	s3 =	rddreg [dreg:$0x2];
	s4 =	simm.s32 $0x0  }
0x4: {  	s14 =	stileid.u32;
	s7 =	srdreg.scid;
	s29 =	simm.s32 $0x1  }
0x5: {  	s30 =	simm.s32 $0x50;
	s31 =	simm.s32 $0x2C00;
	s28 =	simm.s32 $0x7  }
0x6: {  	[smem:$0x7FF] =	sst s4;
	s2 =	smul.u32 $0x278, s14;
	s5 =	sadd.s32 $0x49800, s0  }
0x7: {  	s6 =	sadd.s32 $0x3200, s0;
	s8 =	sand.u32 $0x1, s7;
	s16 =	sshll.u32 s14, $0x6  }
0x8: {  	_ =	strace $0x80000047;
	s7 =	smul.u32 $0x138800, s8;
	s9 =	sshll.u32 s8, $0x4  }
0x9: {  	s12 =	ssub.s32 $0x2, s8;
	s19 =	sor.u32 $0x1C09, s16;
	s9 =	sor.u32 s14, s9  }
0xa: {  	s16 =	simm.s32 $0x80;
	s2 =	smin.u32 s2, $0x2498;
	s8 =	smul.u32 $0x7D, s9  }
0xb: {  	s26 =	sshrl.u32 s12, $0x1;
	s14 =	simm.s32 $0x3;
	s13 =	smul.u32 $0xFA0, s9  }
0xc: {  	[dreg:$0x6] =	wrdreg s19;
	s10 =	sshll.u32 s2, $0x4;
	s15 =	smul.u32 $0x7D00, s9  }
0xd: {  	s2 =	sshll.u32 s2, $0x7;
	s17 =	smul.u32 $0x138800, s9;
	s10 =	sadd.s32 s10, s0  }
0xe: {  	s11 =	sadd.s32 s7, s2;
	s7 =	smul.u32 $0x2710, s9;
	s2 =	sadd.s32 s2, s3  }
0xf: {  	s9 =	smul.u32 $0x27100, s9;
	s11 =	sshrl.u32 s11, $0x3;
	[dreg:$0x4] =	wrdreg s2  }
0x10: {  	s10 =	sadd.s32 $0x52B800, s10;
	s2 =	sshrl.u32 s15, $0x3;
	s18 =	sadd.s32 s6, s13  }
0x11: {  	s20 =	sshrl.u32 s17, $0x3;
	s15 =	simm.s32 $0x4;
	s17 =	simm.s32 $0x5  }
0x12: {  	s0 =	sadd.s32 s11, s0;
	s11 =	ssub.s32 s12, s26;
	[dreg:$0x5] =	wrdreg s10  }
0x13: {  	[dreg:$0x7] =	wrdreg s18;
	s2 =	sadd.s32 s6, s2;
	s9 =	sadd.s32 s5, s9  }
0x14: {  	s22 =	sadd.s32 s5, s20;
	s21 =	sadd.s32 $0x20, s2;
	[dreg:$0x9] =	wrdreg s9  }
0x15: {  	s20 =	sadd.s32 $0x140, s7;
	s23 =	sadd.s32 $0x40, s2;
	[dreg:$0x8] =	wrdreg s21  }
0x16: {  	s10 =	simm.s32 $0x9;
	s24 =	sadd.s32 $0x500, s22;
	[dreg:$0xa] =	wrdreg s23  }
0x17: {  	s12 =	simm.s32 $0x5400;
	s25 =	sadd.s32 $0x60, s2;
	[dreg:$0xb] =	wrdreg s24  }
0x18: {  	s18 =	simm.s32 $0x6;
	s9 =	sadd.s32 $0xA00, s22;
	[dreg:$0xc] =	wrdreg s25  }
.Ltmp0:
0x19: {  	s2 =	sadd.s32 $0x80, s2;
	[dreg:$0xd] =	wrdreg s9;
	(pc) =	sbr.rel .LBB2_1-.Ltmp0, $4  }
0x1a: {  	s22 =	sadd.s32 $0x8, s8;
	s0 =	sadd.s32 $0x552A00, s0;
	[dreg:$0xe] =	wrdreg s2  }
0x1b: {  	s26 =	smax.u32 s11, $0x1;
	s11 =	simm.s32 $0x0;
	[dreg:$0xf] =	wrdreg s0  }
0x1c: {  	s21 =	sadd.s32 $0x7, s8;
	[dreg:$0x10] =	wrdreg s26;
	s25 =	sadd.s32 $0xF0, s7  }
0x1d: {  	s0 =	simm.s32 $0x400;
	s9 =	simm.s32 $0x2;
	s23 =	simm.s32 $0x8  }
.LBB2_14:
0x1e: {  	_ =	swait.ge [sflag:s23], $0x2800  }
0x1f: {  	[sflag:s23] =	ssyncset.done $0x0  }
0x20: {  	[sflag:s23] =	ssyncadd.s32 $0xFFFFD800  }
0x21: {  	_ =	swait.ge [sflag:s28], $0x2800  }
0x22: {  	[sflag:s28] =	ssyncset.done $0x0  }
0x23: {  	[sflag:s28] =	ssyncadd.s32 $0xFFFFD800  }
0x24: {  	[bflag:$0x0] =	sbarrier.arrive $0xFFFF  }
0x25: {  	s19 =	rddreg [dreg:$0x6]  }
0x26: {  	s2 =	rddreg [dreg:$0xf]  }
0x27: {  	s10 =	rddreg [dreg:$0x12]  }
0x28: {  	[hbm:s2], [sflag:s19] =	dma.local [spmem:s10], $0x2780  }
0x29: {  	s10 =	simm.s32 $0x9  }
0x2a: {  	_ =	swait.ge [sflag:s10], $0x2780  }
0x2b: {  	s11 =	rddreg [dreg:$0x11]  }
0x2c: {  	s26 =	rddreg [dreg:$0x10];
	s11 =	sadd.s32 $0x1, s11  }
0x2d: {  	p0 =	sne.s32 s11, s26  }
.Ltmp1:
0x2e: {  	_ = 	snop;
	(pc) =	sbr.rel @!p0 .LBB2_15-.Ltmp1, $3  }
0x2f: {  	_ =	sdelay $0x1  }
0x30: {  	[sflag:s10] =	ssyncset.done $0x0  }
0x31: {  	[sflag:s10] =	ssyncadd.s32 $0xFFFFD880  }
.LBB2_1:
0x32: {  	[dreg:$0x11] =	wrdreg s11  }
0x33: {  	s2 =	rddreg [dreg:$0x4]  }
0x34: {  	s26 =	rddreg [dreg:$0x5];
	s24 =	sshrl.u32 s2, $0x3  }
0x35: {  	[dreg:$0x12] =	wrdreg s24  }
0x36: {  	[spmem:s24], [sflag:s19] =	dma.local [hbm:s26], $0x2780  }
0x37: {  	_ =	swait.ge [sflag:s10], $0x2780  }
0x38: {  	[sflag:s10] =	ssyncset.done $0x0  }
0x39: {  	[sflag:s10] =	ssyncadd.s32 $0xFFFFD880  }
0x3a: {  	[bflag:$0x0] =	sbarrier.arrive $0xFFFF  }
0x3b: {  	s11 =	rddreg [dreg:$0x7]  }
0x3c: {  	[tilespmem:s4], [sflag:$0x1] =	stream.linear.gather [hbm4b:s11+s4], $0x100, $0x38;
	[tilespmem:$0x1DC80] =	vst v63  }
0x3d: {  	s10 =	simm.s32 $0x100;
	s13 =	rddreg [dreg:$0x8]  }
0x3e: {  	[tilespmem:s10], [sflag:$0x2] =	stream.linear.gather [hbm4b:s13+s4], $0x100, $0x38;
	[tilespmem:$0x1DC80] =	vst v63  }
0x3f: {  	_ =	swait.ge [sflag:s29], $0x100  }
0x40: {  	[sflag:s29] =	ssyncset.done $0x0  }
0x41: {  	[sflag:s29] =	ssyncadd.s32 $0xFFFFFF00  }
0x42: {  	[tilespmem:s31], [sflag:$0x3] =	stream.indirect.gather [hbm4b:s1+s30], $0x80, s4, s30, $0xb8;
	[tilespmem:$0x1DC80] =	vst v63  }
0x43: {  	s19 =	rddreg [dreg:$0x9]  }
0x44: {  	[tilespmem:s0], [sflag:$0x4] =	stream.linear.gather [hbm4b:s19+s4], $0x2800, $0x38;
	[tilespmem:$0x1DC80] =	vst v63  }
0x45: {  	s26 =	simm.s32 $0x200;
	s24 =	rddreg [dreg:$0xa]  }
0x46: {  	[tilespmem:s26], [sflag:$0x1] =	stream.linear.gather [hbm4b:s24+s4], $0x100, $0x38;
	[tilespmem:$0x1DC80] =	vst v63  }
0x47: {  	_ =	swait.ge [sflag:s9], $0x100  }
0x48: {  	[sflag:s9] =	ssyncset.done $0x0  }
0x49: {  	s13 =	simm.s32 $0x7C00;
	[sflag:s9] =	ssyncadd.s32 $0xFFFFFF00  }
0x4a: {  	[tilespmem:s13], [sflag:$0x5] =	stream.indirect.gather [hbm4b:s1+s30], $0x80, s10, s30, $0xb8;
	[tilespmem:$0x1DC80] =	vst v63  }
0x4b: {  	s19 =	rddreg [dreg:$0xb]  }
0x4c: {  	[tilespmem:s12], [sflag:$0x6] =	stream.linear.gather [hbm4b:s19+s4], $0x2800, $0x38;
	[tilespmem:$0x1DC80] =	vst v63  }
0x4d: {  	s26 =	simm.s32 $0x300;
	s24 =	rddreg [dreg:$0xc]  }
0x4e: {  	[tilespmem:s26], [sflag:$0x2] =	stream.linear.gather [hbm4b:s24+s4], $0x100, $0x38;
	[tilespmem:$0x1DC80] =	vst v63  }
0x4f: {  	_ =	swait.ge [sflag:s14], $0x2800  }
0x50: {  	[sflag:s14] =	ssyncset.done $0x0  }
0x51: {  	[sflag:s14] =	ssyncadd.s32 $0xFFFFD800  }
0x52: {  	_ =	swait.ge [sflag:s15], $0x2800  }
0x53: {  	[sflag:s15] =	ssyncset.done $0x0  }
0x54: {  	s11 =	simm.s32 $0x0;
	[sflag:s15] =	ssyncadd.s32 $0xFFFFD800  }
0x55: {  	v7 =	vld [tilespmem:s11+$0x2C00]  }
0x56: {  	v11 =	vld [tilespmem:s11+$0x2C10]  }
0x57: {  	v5 =	vld [tilespmem:s11+$0x2C20]  }
0x58: {  	v4 =	vld [tilespmem:s11+$0x2C30]  }
0x59: {  	v3 =	vld [tilespmem:s11+$0x2C40]  }
0x5a: {  	v2 =	vld [tilespmem:s11+$0x2C50]  }
0x5b: {  	v1 =	vld [tilespmem:s11+$0x2C60]  }
0x5c: {  	v0 =	vld [tilespmem:s11+$0x2C70]  }
0x5d: {  	v12 =	vld [tilespmem:s11+$0x400]  }
0x5e: {  	v13 =	vld [tilespmem:s11+$0x410]  }
0x5f: {  	v10 =	vld [tilespmem:s11+$0x420]  }
0x60: {  	v9 =	vld [tilespmem:s11+$0x430]  }
0x61: {  	v8 =	vld [tilespmem:s11+$0x440]  }
0x62: {  	v6 =	vld [tilespmem:s11+$0x450];
	v12 =	vmul.f32 v7, v12  }
0x63: {  	s2 =	simm.s32 $0x200;
	v11 =	vmul.f32 v11, v13;
	v7 =	vld [tilespmem:s11+$0x460]  }
.LBB2_2:
0x64: {  	s10 =	sshra.s32 s2, $0x2;
	p0 =	sne.s32 s2, $0x9E00;
	[tilespmem:s11+$0x400] =	vst v12;
	v5 =	vmul.f32 v5, v10;
	v10 =	vld [tilespmem:s11+$0x470]  }
0x65: {  	v12 =	vld [tilespmem:s10+$0x2C00];
	[tilespmem:s11+$0x410] =	vst v11;
	v4 =	vmul.f32 v4, v9  }
0x66: {  	v11 =	vld [tilespmem:s10+$0x2C10];
	[tilespmem:s11+$0x420] =	vst v5;
	v3 =	vmul.f32 v3, v8  }
0x67: {  	v5 =	vld [tilespmem:s10+$0x2C20];
	[tilespmem:s11+$0x430] =	vst v4;
	v2 =	vmul.f32 v2, v6  }
0x68: {  	v4 =	vld [tilespmem:s10+$0x2C30];
	[tilespmem:s11+$0x440] =	vst v3;
	v1 =	vmul.f32 v1, v7  }
0x69: {  	v3 =	vld [tilespmem:s10+$0x2C40];
	[tilespmem:s11+$0x450] =	vst v2;
	v0 =	vmul.f32 v0, v10  }
0x6a: {  	v2 =	vld [tilespmem:s10+$0x2C50];
	[tilespmem:s11+$0x460] =	vst v1  }
0x6b: {  	v1 =	vld [tilespmem:s10+$0x2C60];
	[tilespmem:s11+$0x470] =	vst v0;
	s11 =	smov.u32 s10  }
0x6c: {  	v0 =	vld [tilespmem:s11+$0x2C70]  }
0x6d: {  	v6 =	vld [tilespmem:s11+$0x400]  }
0x6e: {  	v7 =	vld [tilespmem:s11+$0x410]  }
.Ltmp2:
0x6f: {  	v10 =	vld [tilespmem:s11+$0x420];
	(pc) =	sbr.rel @p0 .LBB2_2-.Ltmp2, $4  }
0x70: {  	v9 =	vld [tilespmem:s11+$0x430]  }
0x71: {  	v8 =	vld [tilespmem:s11+$0x440]  }
0x72: {  	v12 =	vmul.f32 v12, v6;
	v6 =	vld [tilespmem:s11+$0x450]  }
0x73: {  	s2 =	sadd.s32 $0x200, s2;
	v11 =	vmul.f32 v11, v7;
	v7 =	vld [tilespmem:s11+$0x460]  }
0x74: {  	[tilespmem:s11+$0x400] =	vst v12;
	v5 =	vmul.f32 v5, v10;
	v63 =	vld [tilespmem:s11+$0x470]  }
0x75: {  	[tilespmem:s11+$0x410] =	vst v11;
	v4 =	vmul.f32 v4, v9  }
0x76: {  	[tilespmem:s11+$0x420] =	vst v5;
	v3 =	vmul.f32 v3, v8  }
0x77: {  	[tilespmem:s11+$0x430] =	vst v4;
	v2 =	vmul.f32 v2, v6  }
0x78: {  	[tilespmem:s11+$0x440] =	vst v3;
	v1 =	vmul.f32 v1, v7  }
0x79: {  	[tilespmem:s11+$0x450] =	vst v2;
	v0 =	vmul.f32 v0, v63  }
0x7a: {  	[tilespmem:s11+$0x460] =	vst v1  }
0x7b: {  	[tilespmem:s11+$0x470] =	vst v0  }
0x7c: {  	[spmem:s3] =	stream.indirect.scatter.add.f32 [tilespmem:s0], [sflag:$0x7], $0x80, s16, s30, $0xb8;
	[tilespmem:$0x1DC80] =	vst v63  }
0x7d: {  	_ =	swait.ge [sflag:s29], $0x100  }
0x7e: {  	[sflag:s29] =	ssyncset.done $0x0  }
0x7f: {  	s2 =	simm.s32 $0x200;
	[sflag:s29] =	ssyncadd.s32 $0xFFFFFF00  }
0x80: {  	[tilespmem:s31], [sflag:$0x3] =	stream.indirect.gather [hbm4b:s1+s30], $0x80, s2, s30, $0xb8;
	[tilespmem:$0x1DC80] =	vst v63  }
0x81: {  	_ =	swait.ge [sflag:s28], $0x2800  }
0x82: {  	[sflag:s28] =	ssyncset.done $0x0  }
0x83: {  	s26 =	simm.s32 $0x0;
	s19 =	rddreg [dreg:$0xd];
	[sflag:s28] =	ssyncadd.s32 $0xFFFFD800  }
0x84: {  	[tilespmem:s0], [sflag:$0x4] =	stream.linear.gather [hbm4b:s19+s26], $0x2800, $0x38;
	[tilespmem:$0x1DC80] =	vst v63  }
0x85: {  	s24 =	rddreg [dreg:$0xe]  }
0x86: {  	[tilespmem:s26], [sflag:$0x1] =	stream.linear.gather [hbm4b:s24+s26], $0x100, $0x38;
	[tilespmem:$0x1DC80] =	vst v63  }
.LBB2_4:
0x87: {  	_ =	swait.ge [sflag:s17], $0x2800  }
0x88: {  	[sflag:s17] =	ssyncset.done $0x0  }
0x89: {  	[sflag:s17] =	ssyncadd.s32 $0xFFFFD800  }
0x8a: {  	_ =	swait.ge [sflag:s18], $0x2800  }
0x8b: {  	[sflag:s18] =	ssyncset.done $0x0  }
0x8c: {  	s11 =	simm.s32 $0x0;
	[sflag:s18] =	ssyncadd.s32 $0xFFFFD800  }
0x8d: {  	v7 =	vld [tilespmem:s11+$0x7C00]  }
0x8e: {  	v11 =	vld [tilespmem:s11+$0x7C10]  }
0x8f: {  	v5 =	vld [tilespmem:s11+$0x7C20]  }
0x90: {  	v4 =	vld [tilespmem:s11+$0x7C30]  }
0x91: {  	v3 =	vld [tilespmem:s11+$0x7C40]  }
0x92: {  	v2 =	vld [tilespmem:s11+$0x7C50]  }
0x93: {  	v1 =	vld [tilespmem:s11+$0x7C60]  }
0x94: {  	v0 =	vld [tilespmem:s11+$0x7C70]  }
0x95: {  	v12 =	vld [tilespmem:s11+$0x5400]  }
0x96: {  	v13 =	vld [tilespmem:s11+$0x5410]  }
0x97: {  	v10 =	vld [tilespmem:s11+$0x5420]  }
0x98: {  	v9 =	vld [tilespmem:s11+$0x5430]  }
0x99: {  	v8 =	vld [tilespmem:s11+$0x5440]  }
0x9a: {  	v6 =	vld [tilespmem:s11+$0x5450];
	v12 =	vmul.f32 v7, v12  }
0x9b: {  	s2 =	simm.s32 $0x200;
	v11 =	vmul.f32 v11, v13;
	v7 =	vld [tilespmem:s11+$0x5460]  }
.LBB2_5:
0x9c: {  	s10 =	sshra.s32 s2, $0x2;
	p0 =	sne.s32 s2, $0x9E00;
	[tilespmem:s11+$0x5400] =	vst v12;
	v5 =	vmul.f32 v5, v10;
	v10 =	vld [tilespmem:s11+$0x5470]  }
0x9d: {  	v12 =	vld [tilespmem:s10+$0x7C00];
	[tilespmem:s11+$0x5410] =	vst v11;
	v4 =	vmul.f32 v4, v9  }
0x9e: {  	v11 =	vld [tilespmem:s10+$0x7C10];
	[tilespmem:s11+$0x5420] =	vst v5;
	v3 =	vmul.f32 v3, v8  }
0x9f: {  	v5 =	vld [tilespmem:s10+$0x7C20];
	[tilespmem:s11+$0x5430] =	vst v4;
	v2 =	vmul.f32 v2, v6  }
0xa0: {  	v4 =	vld [tilespmem:s10+$0x7C30];
	[tilespmem:s11+$0x5440] =	vst v3;
	v1 =	vmul.f32 v1, v7  }
0xa1: {  	v3 =	vld [tilespmem:s10+$0x7C40];
	[tilespmem:s11+$0x5450] =	vst v2;
	v0 =	vmul.f32 v0, v10  }
0xa2: {  	v2 =	vld [tilespmem:s10+$0x7C50];
	[tilespmem:s11+$0x5460] =	vst v1  }
0xa3: {  	v1 =	vld [tilespmem:s10+$0x7C60];
	[tilespmem:s11+$0x5470] =	vst v0;
	s11 =	smov.u32 s10  }
0xa4: {  	v0 =	vld [tilespmem:s11+$0x7C70]  }
0xa5: {  	v6 =	vld [tilespmem:s11+$0x5400]  }
0xa6: {  	v7 =	vld [tilespmem:s11+$0x5410]  }
.Ltmp3:
0xa7: {  	v10 =	vld [tilespmem:s11+$0x5420];
	(pc) =	sbr.rel @p0 .LBB2_5-.Ltmp3, $4  }
0xa8: {  	v9 =	vld [tilespmem:s11+$0x5430]  }
0xa9: {  	v8 =	vld [tilespmem:s11+$0x5440]  }
0xaa: {  	v12 =	vmul.f32 v12, v6;
	v6 =	vld [tilespmem:s11+$0x5450]  }
0xab: {  	s2 =	sadd.s32 $0x200, s2;
	v11 =	vmul.f32 v11, v7;
	v7 =	vld [tilespmem:s11+$0x5460]  }
0xac: {  	[tilespmem:s11+$0x5400] =	vst v12;
	v5 =	vmul.f32 v5, v10;
	v10 =	vld [tilespmem:s11+$0x5470]  }
0xad: {  	[tilespmem:s11+$0x5410] =	vst v11;
	v4 =	vmul.f32 v4, v9  }
0xae: {  	[tilespmem:s11+$0x5420] =	vst v5;
	v3 =	vmul.f32 v3, v8  }
0xaf: {  	[tilespmem:s11+$0x5430] =	vst v4;
	v2 =	vmul.f32 v2, v6  }
0xb0: {  	[tilespmem:s11+$0x5440] =	vst v3;
	v1 =	vmul.f32 v1, v7  }
0xb1: {  	[tilespmem:s11+$0x5450] =	vst v2;
	v0 =	vmul.f32 v0, v10  }
0xb2: {  	[tilespmem:s11+$0x5460] =	vst v1  }
0xb3: {  	s2 =	simm.s32 $0x180;
	[tilespmem:s11+$0x5470] =	vst v0  }
0xb4: {  	[spmem:s3] =	stream.indirect.scatter.add.f32 [tilespmem:s12], [sflag:$0x8], $0x80, s2, s30, $0xb8;
	[tilespmem:$0x1DC80] =	vst v63  }
0xb5: {  	_ =	swait.ge [sflag:s9], $0x100  }
0xb6: {  	s24 =	smul.u32 $0x140, s26;
	[sflag:s9] =	ssyncset.done $0x0  }
0xb7: {  	s13 =	simm.s32 $0x7C00;
	s10 =	simm.s32 $0x300;
	[sflag:s9] =	ssyncadd.s32 $0xFFFFFF00  }
0xb8: {  	[tilespmem:s13], [sflag:$0x5] =	stream.indirect.gather [hbm4b:s1+s30], $0x80, s10, s30, $0xb8;
	[tilespmem:$0x1DC80] =	vst v63  }
0xb9: {  	p0 =	seq.s32 s26, $0x1E;
	s19 =	sadd.s32 s25, s24;
	_ =	swait.ge [sflag:s23], $0x2800  }
0xba: {  	s2 =	sshll.u32 s19, $0x4;
	s19 =	sshll.u32 s26, $0x2;
	[sflag:s23] =	ssyncset.done $0x0  }
0xbb: {  	s2 =	sadd.s32 s5, s2;
	s11 =	sadd.s32 $0x5, s19;
	[sflag:s23] =	ssyncadd.s32 $0xFFFFD800  }
0xbc: {  	[tilespmem:s12], [sflag:$0x6] =	stream.linear.gather [hbm4b:s2+s4], $0x2800, $0x38;
	[tilespmem:$0x1DC80] =	vst v63  }
0xbd: {  	s2 =	sadd.s32 @!p0 s8, s11  }
0xbe: {  	s2 =	sshll.u32 @!p0 s2, $0x5  }
0xbf: {  	s2 =	sand.u32 @!p0 $0x1FFFFFE0, s2  }
0xc0: {  	s10 =	simm.s32 @!p0 $0x0;
	s13 =	simm.s32 @!p0 $0x100;
	s2 =	sadd.s32 @!p0 s6, s2  }
0xc1: {  	[tilespmem:s13], [sflag:$0x2] =	stream.linear.gather @!p0 [hbm4b:s2+s10], $0x100, $0x38;
	[tilespmem:$0x1DC80] =	vst v63  }
0xc2: {  	_ =	swait.ge [sflag:s14], $0x2800  }
0xc3: {  	[sflag:s14] =	ssyncset.done $0x0  }
0xc4: {  	[sflag:s14] =	ssyncadd.s32 $0xFFFFD800  }
0xc5: {  	_ =	swait.ge [sflag:s15], $0x2800  }
0xc6: {  	[sflag:s15] =	ssyncset.done $0x0  }
0xc7: {  	s2 =	simm.s32 $0x0;
	[sflag:s15] =	ssyncadd.s32 $0xFFFFD800  }
0xc8: {  	v7 =	vld [tilespmem:s2+$0x2C00]  }
0xc9: {  	v11 =	vld [tilespmem:s2+$0x2C10]  }
0xca: {  	v5 =	vld [tilespmem:s2+$0x2C20]  }
0xcb: {  	v4 =	vld [tilespmem:s2+$0x2C30]  }
0xcc: {  	v3 =	vld [tilespmem:s2+$0x2C40]  }
0xcd: {  	v2 =	vld [tilespmem:s2+$0x2C50]  }
0xce: {  	v1 =	vld [tilespmem:s2+$0x2C60]  }
0xcf: {  	v0 =	vld [tilespmem:s2+$0x2C70]  }
0xd0: {  	v12 =	vld [tilespmem:s2+$0x400]  }
0xd1: {  	v13 =	vld [tilespmem:s2+$0x410]  }
0xd2: {  	v10 =	vld [tilespmem:s2+$0x420]  }
0xd3: {  	v9 =	vld [tilespmem:s2+$0x430]  }
0xd4: {  	v8 =	vld [tilespmem:s2+$0x440]  }
0xd5: {  	v6 =	vld [tilespmem:s2+$0x450];
	v12 =	vmul.f32 v7, v12  }
0xd6: {  	s10 =	simm.s32 $0x200;
	v11 =	vmul.f32 v11, v13;
	v7 =	vld [tilespmem:s2+$0x460]  }
.LBB2_7:
0xd7: {  	s13 =	sshra.s32 s10, $0x2;
	p1 =	sne.s32 s10, $0x9E00;
	[tilespmem:s2+$0x400] =	vst v12;
	v5 =	vmul.f32 v5, v10;
	v10 =	vld [tilespmem:s2+$0x470]  }
0xd8: {  	v12 =	vld [tilespmem:s13+$0x2C00];
	[tilespmem:s2+$0x410] =	vst v11;
	v4 =	vmul.f32 v4, v9  }
0xd9: {  	v11 =	vld [tilespmem:s13+$0x2C10];
	[tilespmem:s2+$0x420] =	vst v5;
	v3 =	vmul.f32 v3, v8  }
0xda: {  	v5 =	vld [tilespmem:s13+$0x2C20];
	[tilespmem:s2+$0x430] =	vst v4;
	v2 =	vmul.f32 v2, v6  }
0xdb: {  	v4 =	vld [tilespmem:s13+$0x2C30];
	[tilespmem:s2+$0x440] =	vst v3;
	v1 =	vmul.f32 v1, v7  }
0xdc: {  	v3 =	vld [tilespmem:s13+$0x2C40];
	[tilespmem:s2+$0x450] =	vst v2;
	v0 =	vmul.f32 v0, v10  }
0xdd: {  	v2 =	vld [tilespmem:s13+$0x2C50];
	[tilespmem:s2+$0x460] =	vst v1  }
0xde: {  	v1 =	vld [tilespmem:s13+$0x2C60];
	[tilespmem:s2+$0x470] =	vst v0;
	s2 =	smov.u32 s13  }
0xdf: {  	v0 =	vld [tilespmem:s2+$0x2C70]  }
0xe0: {  	v6 =	vld [tilespmem:s2+$0x400]  }
0xe1: {  	v7 =	vld [tilespmem:s2+$0x410]  }
.Ltmp4:
0xe2: {  	v10 =	vld [tilespmem:s2+$0x420];
	(pc) =	sbr.rel @p1 .LBB2_7-.Ltmp4, $4  }
0xe3: {  	v9 =	vld [tilespmem:s2+$0x430]  }
0xe4: {  	v8 =	vld [tilespmem:s2+$0x440]  }
0xe5: {  	v12 =	vmul.f32 v12, v6;
	v6 =	vld [tilespmem:s2+$0x450]  }
0xe6: {  	s10 =	sadd.s32 $0x200, s10;
	v11 =	vmul.f32 v11, v7;
	v7 =	vld [tilespmem:s2+$0x460]  }
0xe7: {  	[tilespmem:s2+$0x400] =	vst v12;
	v5 =	vmul.f32 v5, v10;
	v10 =	vld [tilespmem:s2+$0x470]  }
0xe8: {  	[tilespmem:s2+$0x410] =	vst v11;
	v4 =	vmul.f32 v4, v9  }
0xe9: {  	[tilespmem:s2+$0x420] =	vst v5;
	v3 =	vmul.f32 v3, v8  }
0xea: {  	[tilespmem:s2+$0x430] =	vst v4;
	v2 =	vmul.f32 v2, v6  }
0xeb: {  	[tilespmem:s2+$0x440] =	vst v3;
	v1 =	vmul.f32 v1, v7  }
0xec: {  	[tilespmem:s2+$0x450] =	vst v2;
	v0 =	vmul.f32 v0, v10  }
0xed: {  	[tilespmem:s2+$0x460] =	vst v1  }
0xee: {  	s13 =	simm.s32 $0x280;
	[tilespmem:s2+$0x470] =	vst v0  }
0xef: {  	[spmem:s3] =	stream.indirect.scatter.add.f32 [tilespmem:s0], [sflag:$0x7], $0x80, s13, s30, $0xb8;
	[tilespmem:$0x1DC80] =	vst v63  }
0xf0: {  	_ =	swait.ge [sflag:s29], $0x100  }
0xf1: {  	[sflag:s29] =	ssyncset.done $0x0  }
0xf2: {  	[sflag:s29] =	ssyncadd.s32 $0xFFFFFF00  }
0xf3: {  	[tilespmem:s31], [sflag:$0x3] =	stream.indirect.gather [hbm4b:s1+s30], $0x80, s4, s30, $0xb8;
	[tilespmem:$0x1DC80] =	vst v63  }
0xf4: {  	s24 =	sadd.s32 s24, s20;
	_ =	swait.ge [sflag:s28], $0x2800  }
0xf5: {  	s2 =	sshll.u32 s24, $0x4;
	[sflag:s28] =	ssyncset.done $0x0  }
0xf6: {  	s24 =	sadd.s32 $0x6, s19;
	s2 =	sadd.s32 s5, s2;
	[sflag:s28] =	ssyncadd.s32 $0xFFFFD800  }
0xf7: {  	[tilespmem:s0], [sflag:$0x4] =	stream.linear.gather [hbm4b:s2+s4], $0x2800, $0x38;
	[tilespmem:$0x1DC80] =	vst v63  }
0xf8: {  	s2 =	sadd.s32 @!p0 s8, s24  }
0xf9: {  	s2 =	sshll.u32 @!p0 s2, $0x5  }
0xfa: {  	s2 =	sand.u32 @!p0 $0x1FFFFFE0, s2  }
0xfb: {  	s10 =	simm.s32 @!p0 $0x0;
	s13 =	simm.s32 @!p0 $0x200;
	s2 =	sadd.s32 @!p0 s6, s2  }
0xfc: {  	[tilespmem:s13], [sflag:$0x1] =	stream.linear.gather @!p0 [hbm4b:s2+s10], $0x100, $0x38;
	[tilespmem:$0x1DC80] =	vst v63  }
0xfd: {  	_ =	swait.ge [sflag:s17], $0x2800  }
0xfe: {  	[sflag:s17] =	ssyncset.done $0x0  }
0xff: {  	[sflag:s17] =	ssyncadd.s32 $0xFFFFD800  }
0x100: {  	_ =	swait.ge [sflag:s18], $0x2800  }
0x101: {  	[sflag:s18] =	ssyncset.done $0x0  }
0x102: {  	s2 =	simm.s32 $0x0;
	[sflag:s18] =	ssyncadd.s32 $0xFFFFD800  }
0x103: {  	v7 =	vld [tilespmem:s2+$0x7C00]  }
0x104: {  	v11 =	vld [tilespmem:s2+$0x7C10]  }
0x105: {  	v5 =	vld [tilespmem:s2+$0x7C20]  }
0x106: {  	v4 =	vld [tilespmem:s2+$0x7C30]  }
0x107: {  	v3 =	vld [tilespmem:s2+$0x7C40]  }
0x108: {  	v2 =	vld [tilespmem:s2+$0x7C50]  }
0x109: {  	v1 =	vld [tilespmem:s2+$0x7C60]  }
0x10a: {  	v0 =	vld [tilespmem:s2+$0x7C70]  }
0x10b: {  	v12 =	vld [tilespmem:s2+$0x5400]  }
0x10c: {  	v13 =	vld [tilespmem:s2+$0x5410]  }
0x10d: {  	v10 =	vld [tilespmem:s2+$0x5420]  }
0x10e: {  	v9 =	vld [tilespmem:s2+$0x5430]  }
0x10f: {  	v8 =	vld [tilespmem:s2+$0x5440]  }
0x110: {  	v6 =	vld [tilespmem:s2+$0x5450];
	v12 =	vmul.f32 v7, v12  }
0x111: {  	s10 =	simm.s32 $0x200;
	v11 =	vmul.f32 v11, v13;
	v7 =	vld [tilespmem:s2+$0x5460]  }
.LBB2_9:
0x112: {  	s13 =	sshra.s32 s10, $0x2;
	p1 =	sne.s32 s10, $0x9E00;
	[tilespmem:s2+$0x5400] =	vst v12;
	v5 =	vmul.f32 v5, v10;
	v10 =	vld [tilespmem:s2+$0x5470]  }
0x113: {  	v12 =	vld [tilespmem:s13+$0x7C00];
	[tilespmem:s2+$0x5410] =	vst v11;
	v4 =	vmul.f32 v4, v9  }
0x114: {  	v11 =	vld [tilespmem:s13+$0x7C10];
	[tilespmem:s2+$0x5420] =	vst v5;
	v3 =	vmul.f32 v3, v8  }
0x115: {  	v5 =	vld [tilespmem:s13+$0x7C20];
	[tilespmem:s2+$0x5430] =	vst v4;
	v2 =	vmul.f32 v2, v6  }
0x116: {  	v4 =	vld [tilespmem:s13+$0x7C30];
	[tilespmem:s2+$0x5440] =	vst v3;
	v1 =	vmul.f32 v1, v7  }
0x117: {  	v3 =	vld [tilespmem:s13+$0x7C40];
	[tilespmem:s2+$0x5450] =	vst v2;
	v0 =	vmul.f32 v0, v10  }
0x118: {  	v2 =	vld [tilespmem:s13+$0x7C50];
	[tilespmem:s2+$0x5460] =	vst v1  }
0x119: {  	v1 =	vld [tilespmem:s13+$0x7C60];
	[tilespmem:s2+$0x5470] =	vst v0;
	s2 =	smov.u32 s13  }
0x11a: {  	v0 =	vld [tilespmem:s2+$0x7C70]  }
0x11b: {  	v6 =	vld [tilespmem:s2+$0x5400]  }
0x11c: {  	v7 =	vld [tilespmem:s2+$0x5410]  }
.Ltmp5:
0x11d: {  	v10 =	vld [tilespmem:s2+$0x5420];
	(pc) =	sbr.rel @p1 .LBB2_9-.Ltmp5, $4  }
0x11e: {  	v9 =	vld [tilespmem:s2+$0x5430]  }
0x11f: {  	v8 =	vld [tilespmem:s2+$0x5440]  }
0x120: {  	v12 =	vmul.f32 v12, v6;
	v6 =	vld [tilespmem:s2+$0x5450]  }
0x121: {  	s10 =	sadd.s32 $0x200, s10;
	v11 =	vmul.f32 v11, v7;
	v7 =	vld [tilespmem:s2+$0x5460]  }
0x122: {  	[tilespmem:s2+$0x5400] =	vst v12;
	v5 =	vmul.f32 v5, v10;
	v10 =	vld [tilespmem:s2+$0x5470]  }
0x123: {  	[tilespmem:s2+$0x5410] =	vst v11;
	v4 =	vmul.f32 v4, v9  }
0x124: {  	[tilespmem:s2+$0x5420] =	vst v5;
	v3 =	vmul.f32 v3, v8  }
0x125: {  	[tilespmem:s2+$0x5430] =	vst v4;
	v2 =	vmul.f32 v2, v6  }
0x126: {  	[tilespmem:s2+$0x5440] =	vst v3;
	v1 =	vmul.f32 v1, v7  }
0x127: {  	[tilespmem:s2+$0x5450] =	vst v2;
	v0 =	vmul.f32 v0, v10  }
0x128: {  	[tilespmem:s2+$0x5460] =	vst v1  }
0x129: {  	s13 =	simm.s32 $0x380;
	[tilespmem:s2+$0x5470] =	vst v0;
	s2 =	simm.s32 @!p0 $0x2  }
0x12a: {  	[spmem:s3] =	stream.indirect.scatter.add.f32 [tilespmem:s12], [sflag:$0x8], $0x80, s13, s30, $0xb8;
	[tilespmem:$0x1DC80] =	vst v63  }
0x12b: {  	_ =	swait.ge @!p0 [sflag:s2], $0x100  }
0x12c: {  	s10 =	simm.s32 @!p0 $0x100;
	[sflag:s2] =	ssyncset.done @!p0 $0x0  }
0x12d: {  	s13 =	simm.s32 @!p0 $0x7C00;
	[sflag:s2] =	ssyncadd.s32 @!p0 $0xFFFFFF00;
	s2 =	simm.s32 @!p0 $0x50  }
0x12e: {  	[tilespmem:s13], [sflag:$0x5] =	stream.indirect.gather @!p0 [hbm4b:s1+s2], $0x80, s10, s2, $0xb8;
	[tilespmem:$0x1DC80] =	vst v63  }
0x12f: {  	s2 =	simm.s32 @!p0 $0x8;
	s10 =	smul.u32 @!p0 $0x50, s11  }
0x130: {  	_ =	swait.ge @!p0 [sflag:s2], $0x2800  }
0x131: {  	[sflag:s2] =	ssyncset.done @!p0 $0x0;
	s10 =	sadd.s32 @!p0 s7, s10  }
0x132: {  	[sflag:s2] =	ssyncadd.s32 @!p0 $0xFFFFD800;
	s2 =	sshll.u32 @!p0 s10, $0x4  }
0x133: {  	s11 =	simm.s32 @!p0 $0x5400;
	s10 =	simm.s32 @!p0 $0x0;
	s2 =	sadd.s32 @!p0 s5, s2  }
0x134: {  	[tilespmem:s11], [sflag:$0x6] =	stream.linear.gather @!p0 [hbm4b:s2+s10], $0x2800, $0x38;
	[tilespmem:$0x1DC80] =	vst v63  }
0x135: {  	s2 =	sadd.s32 @!p0 s19, s21  }
0x136: {  	s2 =	sshll.u32 @!p0 s2, $0x5  }
0x137: {  	s2 =	sand.u32 @!p0 $0x1FFFFFE0, s2  }
0x138: {  	s11 =	simm.s32 @!p0 $0x300;
	s2 =	sadd.s32 @!p0 s6, s2  }
0x139: {  	[tilespmem:s11], [sflag:$0x2] =	stream.linear.gather @!p0 [hbm4b:s2+s10], $0x100, $0x38;
	[tilespmem:$0x1DC80] =	vst v63  }
0x13a: {  	_ =	swait.ge [sflag:s14], $0x2800  }
0x13b: {  	[sflag:s14] =	ssyncset.done $0x0  }
0x13c: {  	[sflag:s14] =	ssyncadd.s32 $0xFFFFD800  }
0x13d: {  	_ =	swait.ge [sflag:s15], $0x2800  }
0x13e: {  	[sflag:s15] =	ssyncset.done $0x0  }
0x13f: {  	s2 =	simm.s32 $0x0;
	[sflag:s15] =	ssyncadd.s32 $0xFFFFD800  }
0x140: {  	v7 =	vld [tilespmem:s2+$0x2C00]  }
0x141: {  	v11 =	vld [tilespmem:s2+$0x2C10]  }
0x142: {  	v5 =	vld [tilespmem:s2+$0x2C20]  }
0x143: {  	v4 =	vld [tilespmem:s2+$0x2C30]  }
0x144: {  	v3 =	vld [tilespmem:s2+$0x2C40]  }
0x145: {  	v2 =	vld [tilespmem:s2+$0x2C50]  }
0x146: {  	v1 =	vld [tilespmem:s2+$0x2C60]  }
0x147: {  	v0 =	vld [tilespmem:s2+$0x2C70]  }
0x148: {  	v12 =	vld [tilespmem:s2+$0x400]  }
0x149: {  	v13 =	vld [tilespmem:s2+$0x410]  }
0x14a: {  	v10 =	vld [tilespmem:s2+$0x420]  }
0x14b: {  	v9 =	vld [tilespmem:s2+$0x430]  }
0x14c: {  	v8 =	vld [tilespmem:s2+$0x440]  }
0x14d: {  	v6 =	vld [tilespmem:s2+$0x450];
	v12 =	vmul.f32 v7, v12  }
0x14e: {  	s10 =	simm.s32 $0x200;
	v11 =	vmul.f32 v11, v13;
	v7 =	vld [tilespmem:s2+$0x460]  }
.LBB2_11:
0x14f: {  	s11 =	sshra.s32 s10, $0x2;
	p1 =	sne.s32 s10, $0x9E00;
	[tilespmem:s2+$0x400] =	vst v12;
	v5 =	vmul.f32 v5, v10;
	v10 =	vld [tilespmem:s2+$0x470]  }
0x150: {  	v12 =	vld [tilespmem:s11+$0x2C00];
	[tilespmem:s2+$0x410] =	vst v11;
	v4 =	vmul.f32 v4, v9  }
0x151: {  	v11 =	vld [tilespmem:s11+$0x2C10];
	[tilespmem:s2+$0x420] =	vst v5;
	v3 =	vmul.f32 v3, v8  }
0x152: {  	v5 =	vld [tilespmem:s11+$0x2C20];
	[tilespmem:s2+$0x430] =	vst v4;
	v2 =	vmul.f32 v2, v6  }
0x153: {  	v4 =	vld [tilespmem:s11+$0x2C30];
	[tilespmem:s2+$0x440] =	vst v3;
	v1 =	vmul.f32 v1, v7  }
0x154: {  	v3 =	vld [tilespmem:s11+$0x2C40];
	[tilespmem:s2+$0x450] =	vst v2;
	v0 =	vmul.f32 v0, v10  }
0x155: {  	v2 =	vld [tilespmem:s11+$0x2C50];
	[tilespmem:s2+$0x460] =	vst v1  }
0x156: {  	v1 =	vld [tilespmem:s11+$0x2C60];
	[tilespmem:s2+$0x470] =	vst v0;
	s2 =	smov.u32 s11  }
0x157: {  	v0 =	vld [tilespmem:s2+$0x2C70]  }
0x158: {  	v6 =	vld [tilespmem:s2+$0x400]  }
0x159: {  	v7 =	vld [tilespmem:s2+$0x410]  }
.Ltmp6:
0x15a: {  	v10 =	vld [tilespmem:s2+$0x420];
	(pc) =	sbr.rel @p1 .LBB2_11-.Ltmp6, $4  }
0x15b: {  	v9 =	vld [tilespmem:s2+$0x430]  }
0x15c: {  	v8 =	vld [tilespmem:s2+$0x440]  }
0x15d: {  	v12 =	vmul.f32 v12, v6;
	v6 =	vld [tilespmem:s2+$0x450]  }
0x15e: {  	s10 =	sadd.s32 $0x200, s10;
	v11 =	vmul.f32 v11, v7;
	v7 =	vld [tilespmem:s2+$0x460]  }
0x15f: {  	[tilespmem:s2+$0x400] =	vst v12;
	v5 =	vmul.f32 v5, v10;
	v63 =	vld [tilespmem:s2+$0x470]  }
0x160: {  	[tilespmem:s2+$0x410] =	vst v11;
	v4 =	vmul.f32 v4, v9  }
0x161: {  	[tilespmem:s2+$0x420] =	vst v5;
	v3 =	vmul.f32 v3, v8  }
0x162: {  	[tilespmem:s2+$0x430] =	vst v4;
	v2 =	vmul.f32 v2, v6  }
.Ltmp7:
0x163: {  	[tilespmem:s2+$0x440] =	vst v3;
	v1 =	vmul.f32 v1, v7;
	(pc) =	sbr.rel @p0 .LBB2_14-.Ltmp7, $4  }
0x164: {  	[tilespmem:s2+$0x450] =	vst v2;
	v0 =	vmul.f32 v0, v63  }
0x165: {  	[tilespmem:s2+$0x460] =	vst v1  }
0x166: {  	[tilespmem:s2+$0x470] =	vst v0  }
0x167: {  	[spmem:s3] =	stream.indirect.scatter.add.f32 [tilespmem:s0], [sflag:$0x7], $0x80, s16, s30, $0xb8;
	[tilespmem:$0x1DC80] =	vst v63  }
0x168: {  	_ =	swait.ge [sflag:s29], $0x100  }
0x169: {  	[sflag:s29] =	ssyncset.done $0x0  }
0x16a: {  	s2 =	smul.u32 $0x50, s24;
	s10 =	simm.s32 $0x200;
	[sflag:s29] =	ssyncadd.s32 $0xFFFFFF00  }
0x16b: {  	[tilespmem:s31], [sflag:$0x3] =	stream.indirect.gather [hbm4b:s1+s30], $0x80, s10, s30, $0xb8;
	[tilespmem:$0x1DC80] =	vst v63  }
0x16c: {  	s2 =	sadd.s32 s7, s2;
	_ =	swait.ge [sflag:s28], $0x2800  }
0x16d: {  	s2 =	sshll.u32 s2, $0x4;
	[sflag:s28] =	ssyncset.done $0x0  }
0x16e: {  	s2 =	sadd.s32 s5, s2;
	[sflag:s28] =	ssyncadd.s32 $0xFFFFD800  }
0x16f: {  	[tilespmem:s0], [sflag:$0x4] =	stream.linear.gather [hbm4b:s2+s4], $0x2800, $0x38;
	[tilespmem:$0x1DC80] =	vst v63  }
.Ltmp8:
0x170: {  	s24 =	sadd.s32 s19, s22;
	(pc) =	sbr.rel .LBB2_4-.Ltmp8, $4  }
0x171: {  	s2 =	sshll.u32 s24, $0x5  }
0x172: {  	s2 =	sand.u32 $0x1FFFFFE0, s2  }
0x173: {  	s26 =	sadd.s32 $0x1, s26;
	s2 =	sadd.s32 s6, s2  }
0x174: {  	[tilespmem:s4], [sflag:$0x1] =	stream.linear.gather [hbm4b:s2+s4], $0x100, $0x38;
	[tilespmem:$0x1DC80] =	vst v63  }
.LBB2_15:
0x175: {  	_ =	sfence.sel $0x180000  }
0x176: {  	[bflag:$0x0] =	sbarrier.arrive $0xFFFF  }
0x177: {  	_ =	strace $0x90000047  }
0x178: {  	s0 =	stileid.u32;
	[bflag:$0x2] =	sbarrier.arrive $0xFFFF  }
0x179: {  	p0 =	sne.s32 s0, $0x0;
	s0 =	rddreg [dreg:$0x3]  }
0x17a: {  	s0 =	sadd.s32 @!p0 $0x100000, s0  }
0x17b: {  	[sflag:s0] =	ssyncadd.tile.s32 @!p0 $0x1;
	_ =	shalt  }
.Lfunc_end2:
_tile_overlayer_lowered:
.L_overlay_start_2:
0x17c: {  	(tag) =	ssettag $0x2  }
0x17d: {  	s0 =	rddreg [dreg:$0x0];
	s2 =	stileid.u32  }
0x17e: {  	s1 =	rddreg [dreg:$0x1];
	p0 =	sne.s32 s2, $0x0  }
0x17f: {  	s3 =	rddreg [dreg:$0x2];
	[bflag:$0x3] =	sbarrier.arrive $0xFFFF;
	s2 =	simm.s32 @!p0 $0x1C09  }
0x180: {  	[timem:s3], [sflag:s2] =	dma.local @!p0 [hbm:s0], s1  }
0x181: {  	s0 =	simm.s32 @!p0 $0x9  }
0x182: {  	_ =	swait.ge @!p0 [sflag:s0], s1  }
0x183: {  	s1 =	ssub.s32 @!p0 $0x0, s1;
	[sflag:s0] =	ssyncset.done @!p0 $0x0  }
0x184: {  	[sflag:s0] =	ssyncadd.s32 @!p0 s1  }
0x185: {  	[bflag:$0x3] =	sbarrier.arrive $0xFFFF  }
0x186: {  	_ =	shalt  }

</sc_bundles>
